<compile_context>
chip_gen: v7x
topology: tpu7x:2x2x1
jax: 0.10.2.dev20260603
libtpu: 0.0.44.dev20260713+nightly
codegen_flags: <defaults>
</compile_context>

<pallas_src>
import functools

import jax
import jax.numpy as jnp
from jax import lax
from jax.experimental import pallas as pl
from jax.experimental.pallas import tpu as pltpu
from jax.experimental.pallas import tpu_sc as plsc

_K = 9
_D = 2
_NW = 32
_CHUNKS_PER_SLAB = 8


def _make_sc_kernel(two, b, n, dtype):
    mesh = plsc.VectorSubcoreMesh(core_axis_name="c", subcore_axis_name="s")
    nchunks = two * _K * _CHUNKS_PER_SLAB
    per_w = nchunks // _NW
    rem = nchunks % _NW

    @functools.partial(
        pl.kernel,
        mesh=mesh,
        out_type=jax.ShapeDtypeStruct((two, _K, b, n), dtype),
        scratch_types=[
            pltpu.VMEM((2, 1, 1, 1, n), jnp.int32),
            pltpu.SemaphoreType.DMA((2,)),
            pltpu.SemaphoreType.DMA((2,)),
        ],
    )
    def sc_copy(t_hbm, out_hbm, buf, in_sems, out_sems):
        c = lax.axis_index("c")
        s = lax.axis_index("s")
        wid = s * 2 + c
        base = wid * per_w + jnp.minimum(wid, rem)
        count = per_w + jnp.where(wid < rem, 1, 0)

        def chunk_refs(i):
            d0 = i // (_K * _CHUNKS_PER_SLAB)
            r = i % (_K * _CHUNKS_PER_SLAB)
            k = r // _CHUNKS_PER_SLAB
            row = r % _CHUNKS_PER_SLAB
            src = t_hbm.at[pl.ds(d0, 1), pl.ds(_D * k, 1), pl.ds(row, 1), :]
            dst = out_hbm.at[pl.ds(d0, 1), pl.ds(k, 1), pl.ds(row, 1), :]
            return src, dst

        def start_in(j, slot):
            src, _ = chunk_refs(base + j)
            pltpu.make_async_copy(
                src, buf.at[slot], in_sems.at[slot]
            ).start()

        def wait_in(j, slot):
            src, _ = chunk_refs(base + j)
            pltpu.make_async_copy(
                src, buf.at[slot], in_sems.at[slot]
            ).wait()

        def start_out(j, slot):
            _, dst = chunk_refs(base + j)
            pltpu.make_async_copy(
                buf.at[slot], dst, out_sems.at[slot]
            ).start()

        def wait_out(j, slot):
            _, dst = chunk_refs(base + j)
            pltpu.make_async_copy(
                buf.at[slot], dst, out_sems.at[slot]
            ).wait()

        @pl.when(count > 0)
        def _():
            start_in(0, 0)

            def body(j, _):
                slot = lax.rem(j, 2)
                nslot = lax.rem(j + 1, 2)

                @pl.when(j >= 1)
                def _():
                    wait_out(j - 1, nslot)

                @pl.when(j + 1 < count)
                def _():
                    start_in(j + 1, nslot)

                wait_in(j, slot)
                start_out(j, slot)
                return 0

            lax.fori_loop(0, count, body, 0)

            wait_out(count - 1, lax.rem(count - 1, 2))

    return sc_copy


def kernel(edge_index):
    two, b, n, kd = edge_index.shape
    t = jnp.transpose(edge_index, (0, 3, 1, 2))
    out_t = _make_sc_kernel(two, b, n, edge_index.dtype)(t)
    return jnp.transpose(out_t, (0, 2, 3, 1))

# --- scband reference (transcript-rebuilt; emitter-appended) ---
"""Pipeline reference for scband-dense-dilated-7138235646514 (READ-ONLY COPY).

The authoritative reference and input builder live on the scoring server;
editing this copy changes nothing except your own understanding.
"""

import jax, jax.numpy as jnp
import numpy as np

K = 9
DILATION = 2
BATCH = 8
NUM_POINTS = 10000

def setup_inputs(seed: int = 0) -> dict:
    key = jax.random.key(seed)
    edge_index = jax.random.randint(key, (2, BATCH, NUM_POINTS, K * DILATION), 0, NUM_POINTS, dtype=jnp.int64 if jax.config.jax_enable_x64 else jnp.int32)
    edge_index = edge_index.astype(jnp.int32)
    return {"edge_index": edge_index}

def reference(edge_index):
    # DenseDilated forward (non-stochastic path): strided slice over neighbor dim
    # edge_index: (2, batch_size, num_points, k*dilation) -> (2, batch_size, num_points, k)
    out = edge_index[:, :, :, ::DILATION]
    return out

if __name__ == "__main__":
    import jax
    _d = setup_inputs()
    print(jax.jit(kernel)(*tuple(_d.values())))

</pallas_src>

<mosaic_0001>
#map = affine_map<(d0, d1) -> (0, 0, 0, 0)>
module attributes {stable_mosaic.version = 14 : i64} {
  func.func @sc_copy(%arg0: i32, %arg1: i32, %arg2: memref<2x18x8x10000xi32, #tpu.memory_space<hbm>>, %arg3: memref<2x9x8x10000xi32, #tpu.memory_space<hbm>>, %arg4: memref<2x1x1x1x10000xi32, #tpu.memory_space<vmem>>, %arg5: memref<2x!tpu.dma_semaphore, #tpu.memory_space<semaphore_mem>>, %arg6: memref<2x!tpu.dma_semaphore, #tpu.memory_space<semaphore_mem>>) attributes {dimension_semantics = [#tpu.dimension_semantics<core_parallel>, #tpu.dimension_semantics<subcore_parallel>], iteration_bounds = array<i64: 2, 16>, scalar_prefetch = 0 : i64, scratch_operands = 3 : i64, tpu.core_type = #tpu.core_type<sc_vector_subcore>, window_params = [{transform_indices = #map}, {transform_indices = #map}]} {
    %mul3A = arith.constant 2 : i32
    %mul3A_0 = arith.muli %arg1, %mul3A : i32
    %add3A = arith.addi %mul3A_0, %arg0 : i32
    %mul3A_1 = arith.constant 4 : i32
    %mul3A_2 = arith.muli %add3A, %mul3A_1 : i32
    %min3A = arith.constant 16 : i32
    %min3A_3 = arith.minsi %add3A, %min3A : i32
    %add3A_4 = arith.addi %mul3A_2, %min3A_3 : i32
    %lt3A = arith.constant 16 : i32
    %lt3A_5 = arith.cmpi slt, %add3A, %lt3A : i32
    %jit3A = arith.constant 1 : i32
    %jit3A_6 = arith.constant 0 : i32
    %select_n3A = arith.select %lt3A_5, %jit3A, %jit3A_6 : i32
    %add3A_7 = arith.constant 4 : i32
    %add3A_8 = arith.addi %add3A_7, %select_n3A : i32
    %gt3A = arith.constant 0 : i32
    %gt3A_9 = arith.cmpi sgt, %add3A_8, %gt3A : i32
    %convert_element_type3A = arith.extui %gt3A_9 : i1 to i32
    %cond3A = arith.constant 0 : i32
    %cond3A_10 = arith.cmpi ne, %convert_element_type3A, %cond3A : i32
    scf.if %cond3A_10 {
      %add3A_11 = arith.constant 0 : i32
      %add3A_12 = arith.addi %add3A_4, %add3A_11 : i32
      %jit3A_13 = arith.constant 72 : i32
      %div3A = arith.divsi %add3A_12, %jit3A_13 : i32
      %sign3A = arith.constant 0 : i32
      %sign3A_14 = arith.cmpi sgt, %add3A_12, %sign3A : i32
      %sign3A_15 = arith.extui %sign3A_14 : i1 to i32
      %sign3A_16 = arith.constant 0 : i32
      %sign3A_17 = arith.cmpi slt, %add3A_12, %sign3A_16 : i32
      %sign3A_18 = arith.extui %sign3A_17 : i1 to i32
      %sign3A_19 = arith.subi %sign3A_15, %sign3A_18 : i32
      %sign3A_20 = arith.constant 0 : i32
      %sign3A_21 = arith.cmpi sgt, %jit3A_13, %sign3A_20 : i32
      %sign3A_22 = arith.extui %sign3A_21 : i1 to i32
      %sign3A_23 = arith.constant 0 : i32
      %sign3A_24 = arith.cmpi slt, %jit3A_13, %sign3A_23 : i32
      %sign3A_25 = arith.extui %sign3A_24 : i1 to i32
      %sign3A_26 = arith.subi %sign3A_22, %sign3A_25 : i32
      %ne3A = arith.cmpi ne, %sign3A_19, %sign3A_26 : i32
      %rem3A = arith.remsi %add3A_12, %jit3A_13 : i32
      %ne3A_27 = arith.constant 0 : i32
      %ne3A_28 = arith.cmpi ne, %rem3A, %ne3A_27 : i32
      %and3A = arith.andi %ne3A, %ne3A_28 : i1
      %sub3A = arith.constant 1 : i32
      %sub3A_29 = arith.subi %div3A, %sub3A : i32
      %select_n3A_30 = arith.select %and3A, %sub3A_29, %div3A : i32
      %jit3A_31 = arith.constant 72 : i32
      %eq3A = arith.constant 0 : i32
      %eq3A_32 = arith.cmpi eq, %jit3A_31, %eq3A : i32
      %jit3A_33 = arith.constant 1 : i32
      %select_n3A_34 = arith.select %eq3A_32, %jit3A_33, %jit3A_31 : i32
      %rem3A_35 = arith.remsi %add3A_12, %select_n3A_34 : i32
      %ne3A_36 = arith.constant 0 : i32
      %ne3A_37 = arith.cmpi ne, %rem3A_35, %ne3A_36 : i32
      %lt3A_38 = arith.constant 0 : i32
      %lt3A_39 = arith.cmpi slt, %rem3A_35, %lt3A_38 : i32
      %lt3A_40 = arith.constant 0 : i32
      %lt3A_41 = arith.cmpi slt, %select_n3A_34, %lt3A_40 : i32
      %ne3A_42 = arith.xori %lt3A_39, %lt3A_41 : i1
      %and3A_43 = arith.andi %ne3A_42, %ne3A_37 : i1
      %add3A_44 = arith.addi %rem3A_35, %select_n3A_34 : i32
      %select_n3A_45 = arith.select %and3A_43, %add3A_44, %rem3A_35 : i32
      %jit3A_46 = arith.constant 8 : i32
      %div3A_47 = arith.divsi %select_n3A_45, %jit3A_46 : i32
      %sign3A_48 = arith.constant 0 : i32
      %sign3A_49 = arith.cmpi sgt, %select_n3A_45, %sign3A_48 : i32
      %sign3A_50 = arith.extui %sign3A_49 : i1 to i32
      %sign3A_51 = arith.constant 0 : i32
      %sign3A_52 = arith.cmpi slt, %select_n3A_45, %sign3A_51 : i32
      %sign3A_53 = arith.extui %sign3A_52 : i1 to i32
      %sign3A_54 = arith.subi %sign3A_50, %sign3A_53 : i32
      %sign3A_55 = arith.constant 0 : i32
      %sign3A_56 = arith.cmpi sgt, %jit3A_46, %sign3A_55 : i32
      %sign3A_57 = arith.extui %sign3A_56 : i1 to i32
      %sign3A_58 = arith.constant 0 : i32
      %sign3A_59 = arith.cmpi slt, %jit3A_46, %sign3A_58 : i32
      %sign3A_60 = arith.extui %sign3A_59 : i1 to i32
      %sign3A_61 = arith.subi %sign3A_57, %sign3A_60 : i32
      %ne3A_62 = arith.cmpi ne, %sign3A_54, %sign3A_61 : i32
      %rem3A_63 = arith.remsi %select_n3A_45, %jit3A_46 : i32
      %ne3A_64 = arith.constant 0 : i32
      %ne3A_65 = arith.cmpi ne, %rem3A_63, %ne3A_64 : i32
      %and3A_66 = arith.andi %ne3A_62, %ne3A_65 : i1
      %sub3A_67 = arith.constant 1 : i32
      %sub3A_68 = arith.subi %div3A_47, %sub3A_67 : i32
      %select_n3A_69 = arith.select %and3A_66, %sub3A_68, %div3A_47 : i32
      %jit3A_70 = arith.constant 8 : i32
      %eq3A_71 = arith.constant 0 : i32
      %eq3A_72 = arith.cmpi eq, %jit3A_70, %eq3A_71 : i32
      %jit3A_73 = arith.constant 1 : i32
      %select_n3A_74 = arith.select %eq3A_72, %jit3A_73, %jit3A_70 : i32
      %rem3A_75 = arith.remsi %select_n3A_45, %select_n3A_74 : i32
      %ne3A_76 = arith.constant 0 : i32
      %ne3A_77 = arith.cmpi ne, %rem3A_75, %ne3A_76 : i32
      %lt3A_78 = arith.constant 0 : i32
      %lt3A_79 = arith.cmpi slt, %rem3A_75, %lt3A_78 : i32
      %lt3A_80 = arith.constant 0 : i32
      %lt3A_81 = arith.cmpi slt, %select_n3A_74, %lt3A_80 : i32
      %ne3A_82 = arith.xori %lt3A_79, %lt3A_81 : i1
      %and3A_83 = arith.andi %ne3A_82, %ne3A_77 : i1
      %add3A_84 = arith.addi %rem3A_75, %select_n3A_74 : i32
      %select_n3A_85 = arith.select %and3A_83, %add3A_84, %rem3A_75 : i32
      %mul3A_86 = arith.constant 2 : i32
      %mul3A_87 = arith.muli %mul3A_86, %select_n3A_69 : i32
      %dma_start3A = arith.constant 0 : i32
      %dma_start3A_88 = arith.constant 0 : i32
      %dma_start3A_89 = arith.constant 0 : i32
      %dma_start3A_90 = arith.constant 0 : i32
      %dma_start3A_91 = arith.constant 0 : i32
      %dma_start3A_92 = arith.constant 0 : i32
      %dma_start3A_93 = tpu.memref_slice %arg4[%dma_start3A, %dma_start3A_89, %dma_start3A_90, %dma_start3A_91, %dma_start3A_92] : memref<2x1x1x1x10000xi32, #tpu.memory_space<vmem>> -> memref<1x1x1x1x10000xi32, #tpu.memory_space<vmem>>
      %dma_start3A_94 = tpu.memref_squeeze %dma_start3A_93 : memref<1x1x1x1x10000xi32, #tpu.memory_space<vmem>> -> memref<1x1x1x10000xi32, #tpu.memory_space<vmem>>
      %dma_start3A_95 = arith.constant 0 : i32
      %dma_start3A_96 = tpu.memref_slice %arg2[%select_n3A_30, %mul3A_87, %select_n3A_85, %dma_start3A_95] : memref<2x18x8x10000xi32, #tpu.memory_space<hbm>> -> memref<1x1x1x10000xi32, #tpu.memory_space<hbm>>
      %dma_start3A_97 = tpu.memref_slice %arg5[%dma_start3A_88] : memref<2x!tpu.dma_semaphore, #tpu.memory_space<semaphore_mem>> -> memref<1x!tpu.dma_semaphore, #tpu.memory_space<semaphore_mem>>
      %dma_start3A_98 = tpu.memref_squeeze %dma_start3A_97 : memref<1x!tpu.dma_semaphore, #tpu.memory_space<semaphore_mem>> -> memref<!tpu.dma_semaphore, #tpu.memory_space<semaphore_mem>>
      %dma_start3A_99 = arith.constant 0 : i32
      %dma_start3A_100 = arith.constant 0 : i32
      %dma_start3A_101 = arith.constant 0 : i32
      %dma_start3A_102 = arith.constant 0 : i32
      %dma_start3A_103 = tpu.memref_slice %arg4[%dma_start3A, %dma_start3A_99, %dma_start3A_100, %dma_start3A_101, %dma_start3A_102] : memref<2x1x1x1x10000xi32, #tpu.memory_space<vmem>> -> memref<1x1x1x1x10000xi32, #tpu.memory_space<vmem>>
      %dma_start3A_104 = tpu.memref_squeeze %dma_start3A_103 : memref<1x1x1x1x10000xi32, #tpu.memory_space<vmem>> -> memref<1x1x1x10000xi32, #tpu.memory_space<vmem>>
      %dma_start3A_105 = arith.constant 0 : i32
      %dma_start3A_106 = tpu.memref_slice %arg2[%select_n3A_30, %mul3A_87, %select_n3A_85, %dma_start3A_105] : memref<2x18x8x10000xi32, #tpu.memory_space<hbm>> -> memref<1x1x1x10000xi32, #tpu.memory_space<hbm>>
      tpu.enqueue_dma source(%dma_start3A_106 : memref<1x1x1x10000xi32, #tpu.memory_space<hbm>>) target(%dma_start3A_104 : memref<1x1x1x10000xi32, #tpu.memory_space<vmem>>) target_semaphore(%dma_start3A_98 : memref<!tpu.dma_semaphore, #tpu.memory_space<semaphore_mem>>)
      %while3A = arith.constant 0 : i32
      %while3A_107 = arith.constant 0 : i32
      %while3A_108 = arith.subi %add3A_8, %while3A : i32
      %while3A_109 = arith.addi %while3A, %while3A_108 : i32
      %while3A_110 = arith.constant 1 : i32
      %while3A_111 = arith.divsi %while3A_108, %while3A_110 : i32
      %while3A_112 = arith.muli %while3A_111, %while3A_110 : i32
      %while3A_113 = arith.addi %while3A, %while3A_112 : i32
      %while3A_114 = arith.constant 1 : i32
      %while3A_115 = scf.for %while3A_224 = %while3A to %while3A_113 step %while3A_114 iter_args(%while3A_225 = %while3A_107) -> (i32)  : i32 {
        %rem3A_226 = arith.constant 2 : i32
        %rem3A_227 = arith.remsi %while3A_224, %rem3A_226 : i32
        %add3A_228 = arith.constant 1 : i32
        %add3A_229 = arith.addi %while3A_224, %add3A_228 : i32
        %rem3A_230 = arith.constant 2 : i32
        %rem3A_231 = arith.remsi %add3A_229, %rem3A_230 : i32
        %ge3A = arith.constant 1 : i32
        %ge3A_232 = arith.cmpi sge, %while3A_224, %ge3A : i32
        %convert_element_type3A_233 = arith.extui %ge3A_232 : i1 to i32
        %cond3A_234 = arith.constant 0 : i32
        %cond3A_235 = arith.cmpi ne, %convert_element_type3A_233, %cond3A_234 : i32
        scf.if %cond3A_235 {
          %sub3A_445 = arith.constant 1 : i32
          %sub3A_446 = arith.subi %while3A_224, %sub3A_445 : i32
          %add3A_447 = arith.addi %add3A_4, %sub3A_446 : i32
          %jit3A_448 = arith.constant 72 : i32
          %div3A_449 = arith.divsi %add3A_447, %jit3A_448 : i32
          %sign3A_450 = arith.constant 0 : i32
          %sign3A_451 = arith.cmpi sgt, %add3A_447, %sign3A_450 : i32
          %sign3A_452 = arith.extui %sign3A_451 : i1 to i32
          %sign3A_453 = arith.constant 0 : i32
          %sign3A_454 = arith.cmpi slt, %add3A_447, %sign3A_453 : i32
          %sign3A_455 = arith.extui %sign3A_454 : i1 to i32
          %sign3A_456 = arith.subi %sign3A_452, %sign3A_455 : i32
          %sign3A_457 = arith.constant 0 : i32
          %sign3A_458 = arith.cmpi sgt, %jit3A_448, %sign3A_457 : i32
          %sign3A_459 = arith.extui %sign3A_458 : i1 to i32
          %sign3A_460 = arith.constant 0 : i32
          %sign3A_461 = arith.cmpi slt, %jit3A_448, %sign3A_460 : i32
          %sign3A_462 = arith.extui %sign3A_461 : i1 to i32
          %sign3A_463 = arith.subi %sign3A_459, %sign3A_462 : i32
          %ne3A_464 = arith.cmpi ne, %sign3A_456, %sign3A_463 : i32
          %rem3A_465 = arith.remsi %add3A_447, %jit3A_448 : i32
          %ne3A_466 = arith.constant 0 : i32
          %ne3A_467 = arith.cmpi ne, %rem3A_465, %ne3A_466 : i32
          %and3A_468 = arith.andi %ne3A_464, %ne3A_467 : i1
          %sub3A_469 = arith.constant 1 : i32
          %sub3A_470 = arith.subi %div3A_449, %sub3A_469 : i32
          %select_n3A_471 = arith.select %and3A_468, %sub3A_470, %div3A_449 : i32
          %jit3A_472 = arith.constant 72 : i32
          %eq3A_473 = arith.constant 0 : i32
          %eq3A_474 = arith.cmpi eq, %jit3A_472, %eq3A_473 : i32
          %jit3A_475 = arith.constant 1 : i32
          %select_n3A_476 = arith.select %eq3A_474, %jit3A_475, %jit3A_472 : i32
          %rem3A_477 = arith.remsi %add3A_447, %select_n3A_476 : i32
          %ne3A_478 = arith.constant 0 : i32
          %ne3A_479 = arith.cmpi ne, %rem3A_477, %ne3A_478 : i32
          %lt3A_480 = arith.constant 0 : i32
          %lt3A_481 = arith.cmpi slt, %rem3A_477, %lt3A_480 : i32
          %lt3A_482 = arith.constant 0 : i32
          %lt3A_483 = arith.cmpi slt, %select_n3A_476, %lt3A_482 : i32
          %ne3A_484 = arith.xori %lt3A_481, %lt3A_483 : i1
          %and3A_485 = arith.andi %ne3A_484, %ne3A_479 : i1
          %add3A_486 = arith.addi %rem3A_477, %select_n3A_476 : i32
          %select_n3A_487 = arith.select %and3A_485, %add3A_486, %rem3A_477 : i32
          %jit3A_488 = arith.constant 8 : i32
          %div3A_489 = arith.divsi %select_n3A_487, %jit3A_488 : i32
          %sign3A_490 = arith.constant 0 : i32
          %sign3A_491 = arith.cmpi sgt, %select_n3A_487, %sign3A_490 : i32
          %sign3A_492 = arith.extui %sign3A_491 : i1 to i32
          %sign3A_493 = arith.constant 0 : i32
          %sign3A_494 = arith.cmpi slt, %select_n3A_487, %sign3A_493 : i32
          %sign3A_495 = arith.extui %sign3A_494 : i1 to i32
          %sign3A_496 = arith.subi %sign3A_492, %sign3A_495 : i32
          %sign3A_497 = arith.constant 0 : i32
          %sign3A_498 = arith.cmpi sgt, %jit3A_488, %sign3A_497 : i32
          %sign3A_499 = arith.extui %sign3A_498 : i1 to i32
          %sign3A_500 = arith.constant 0 : i32
          %sign3A_501 = arith.cmpi slt, %jit3A_488, %sign3A_500 : i32
          %sign3A_502 = arith.extui %sign3A_501 : i1 to i32
          %sign3A_503 = arith.subi %sign3A_499, %sign3A_502 : i32
          %ne3A_504 = arith.cmpi ne, %sign3A_496, %sign3A_503 : i32
          %rem3A_505 = arith.remsi %select_n3A_487, %jit3A_488 : i32
          %ne3A_506 = arith.constant 0 : i32
          %ne3A_507 = arith.cmpi ne, %rem3A_505, %ne3A_506 : i32
          %and3A_508 = arith.andi %ne3A_504, %ne3A_507 : i1
          %sub3A_509 = arith.constant 1 : i32
          %sub3A_510 = arith.subi %div3A_489, %sub3A_509 : i32
          %select_n3A_511 = arith.select %and3A_508, %sub3A_510, %div3A_489 : i32
          %jit3A_512 = arith.constant 8 : i32
          %eq3A_513 = arith.constant 0 : i32
          %eq3A_514 = arith.cmpi eq, %jit3A_512, %eq3A_513 : i32
          %jit3A_515 = arith.constant 1 : i32
          %select_n3A_516 = arith.select %eq3A_514, %jit3A_515, %jit3A_512 : i32
          %rem3A_517 = arith.remsi %select_n3A_487, %select_n3A_516 : i32
          %ne3A_518 = arith.constant 0 : i32
          %ne3A_519 = arith.cmpi ne, %rem3A_517, %ne3A_518 : i32
          %lt3A_520 = arith.constant 0 : i32
          %lt3A_521 = arith.cmpi slt, %rem3A_517, %lt3A_520 : i32
          %lt3A_522 = arith.constant 0 : i32
          %lt3A_523 = arith.cmpi slt, %select_n3A_516, %lt3A_522 : i32
          %ne3A_524 = arith.xori %lt3A_521, %lt3A_523 : i1
          %and3A_525 = arith.andi %ne3A_524, %ne3A_519 : i1
          %add3A_526 = arith.addi %rem3A_517, %select_n3A_516 : i32
          %select_n3A_527 = arith.select %and3A_525, %add3A_526, %rem3A_517 : i32
          %mul3A_528 = arith.constant 2 : i32
          %mul3A_529 = arith.muli %mul3A_528, %select_n3A_511 : i32
          %dma_wait3A_530 = arith.constant 0 : i32
          %dma_wait3A_531 = arith.constant 0 : i32
          %dma_wait3A_532 = arith.constant 0 : i32
          %dma_wait3A_533 = arith.constant 0 : i32
          %dma_wait3A_534 = tpu.memref_slice %arg4[%rem3A_231, %dma_wait3A_530, %dma_wait3A_531, %dma_wait3A_532, %dma_wait3A_533] : memref<2x1x1x1x10000xi32, #tpu.memory_space<vmem>> -> memref<1x1x1x1x10000xi32, #tpu.memory_space<vmem>>
          %dma_wait3A_535 = tpu.memref_squeeze %dma_wait3A_534 : memref<1x1x1x1x10000xi32, #tpu.memory_space<vmem>> -> memref<1x1x1x10000xi32, #tpu.memory_space<vmem>>
          %dma_wait3A_536 = arith.constant 0 : i32
          %dma_wait3A_537 = tpu.memref_slice %arg3[%select_n3A_471, %select_n3A_511, %select_n3A_527, %dma_wait3A_536] : memref<2x9x8x10000xi32, #tpu.memory_space<hbm>> -> memref<1x1x1x10000xi32, #tpu.memory_space<hbm>>
          %dma_wait3A_538 = tpu.memref_slice %arg6[%rem3A_231] : memref<2x!tpu.dma_semaphore, #tpu.memory_space<semaphore_mem>> -> memref<1x!tpu.dma_semaphore, #tpu.memory_space<semaphore_mem>>
          %dma_wait3A_539 = tpu.memref_squeeze %dma_wait3A_538 : memref<1x!tpu.dma_semaphore, #tpu.memory_space<semaphore_mem>> -> memref<!tpu.dma_semaphore, #tpu.memory_space<semaphore_mem>>
          %dma_wait3A_540 = arith.constant 0 : i32
          %dma_wait3A_541 = tpu.memref_slice %arg3[%select_n3A_471, %select_n3A_511, %select_n3A_527, %dma_wait3A_540] : memref<2x9x8x10000xi32, #tpu.memory_space<hbm>> -> memref<1x1x1x10000xi32, #tpu.memory_space<hbm>>
          %dma_wait3A_542 = arith.constant 0 : i32
          %dma_wait3A_543 = arith.constant 0 : i32
          %dma_wait3A_544 = arith.constant 0 : i32
          %dma_wait3A_545 = arith.constant 0 : i32
          %dma_wait3A_546 = tpu.memref_slice %arg4[%rem3A_231, %dma_wait3A_542, %dma_wait3A_543, %dma_wait3A_544, %dma_wait3A_545] : memref<2x1x1x1x10000xi32, #tpu.memory_space<vmem>> -> memref<1x1x1x1x10000xi32, #tpu.memory_space<vmem>>
          %dma_wait3A_547 = tpu.memref_squeeze %dma_wait3A_546 : memref<1x1x1x1x10000xi32, #tpu.memory_space<vmem>> -> memref<1x1x1x10000xi32, #tpu.memory_space<vmem>>
          tpu.wait_dma2 semaphore(%dma_wait3A_539 : memref<!tpu.dma_semaphore, #tpu.memory_space<semaphore_mem>>) src(%dma_wait3A_547 : memref<1x1x1x10000xi32, #tpu.memory_space<vmem>>) dst(%dma_wait3A_541 : memref<1x1x1x10000xi32, #tpu.memory_space<hbm>>)
        } else {
        }
        %add3A_236 = arith.constant 1 : i32
        %add3A_237 = arith.addi %while3A_224, %add3A_236 : i32
        %lt3A_238 = arith.cmpi slt, %add3A_237, %add3A_8 : i32
        %convert_element_type3A_239 = arith.extui %lt3A_238 : i1 to i32
        %cond3A_240 = arith.constant 0 : i32
        %cond3A_241 = arith.cmpi ne, %convert_element_type3A_239, %cond3A_240 : i32
        scf.if %cond3A_241 {
          %add3A_445 = arith.constant 1 : i32
          %add3A_446 = arith.addi %while3A_224, %add3A_445 : i32
          %add3A_447 = arith.addi %add3A_4, %add3A_446 : i32
          %jit3A_448 = arith.constant 72 : i32
          %div3A_449 = arith.divsi %add3A_447, %jit3A_448 : i32
          %sign3A_450 = arith.constant 0 : i32
          %sign3A_451 = arith.cmpi sgt, %add3A_447, %sign3A_450 : i32
          %sign3A_452 = arith.extui %sign3A_451 : i1 to i32
          %sign3A_453 = arith.constant 0 : i32
          %sign3A_454 = arith.cmpi slt, %add3A_447, %sign3A_453 : i32
          %sign3A_455 = arith.extui %sign3A_454 : i1 to i32
          %sign3A_456 = arith.subi %sign3A_452, %sign3A_455 : i32
          %sign3A_457 = arith.constant 0 : i32
          %sign3A_458 = arith.cmpi sgt, %jit3A_448, %sign3A_457 : i32
          %sign3A_459 = arith.extui %sign3A_458 : i1 to i32
          %sign3A_460 = arith.constant 0 : i32
          %sign3A_461 = arith.cmpi slt, %jit3A_448, %sign3A_460 : i32
          %sign3A_462 = arith.extui %sign3A_461 : i1 to i32
          %sign3A_463 = arith.subi %sign3A_459, %sign3A_462 : i32
          %ne3A_464 = arith.cmpi ne, %sign3A_456, %sign3A_463 : i32
          %rem3A_465 = arith.remsi %add3A_447, %jit3A_448 : i32
          %ne3A_466 = arith.constant 0 : i32
          %ne3A_467 = arith.cmpi ne, %rem3A_465, %ne3A_466 : i32
          %and3A_468 = arith.andi %ne3A_464, %ne3A_467 : i1
          %sub3A_469 = arith.constant 1 : i32
          %sub3A_470 = arith.subi %div3A_449, %sub3A_469 : i32
          %select_n3A_471 = arith.select %and3A_468, %sub3A_470, %div3A_449 : i32
          %jit3A_472 = arith.constant 72 : i32
          %eq3A_473 = arith.constant 0 : i32
          %eq3A_474 = arith.cmpi eq, %jit3A_472, %eq3A_473 : i32
          %jit3A_475 = arith.constant 1 : i32
          %select_n3A_476 = arith.select %eq3A_474, %jit3A_475, %jit3A_472 : i32
          %rem3A_477 = arith.remsi %add3A_447, %select_n3A_476 : i32
          %ne3A_478 = arith.constant 0 : i32
          %ne3A_479 = arith.cmpi ne, %rem3A_477, %ne3A_478 : i32
          %lt3A_480 = arith.constant 0 : i32
          %lt3A_481 = arith.cmpi slt, %rem3A_477, %lt3A_480 : i32
          %lt3A_482 = arith.constant 0 : i32
          %lt3A_483 = arith.cmpi slt, %select_n3A_476, %lt3A_482 : i32
          %ne3A_484 = arith.xori %lt3A_481, %lt3A_483 : i1
          %and3A_485 = arith.andi %ne3A_484, %ne3A_479 : i1
          %add3A_486 = arith.addi %rem3A_477, %select_n3A_476 : i32
          %select_n3A_487 = arith.select %and3A_485, %add3A_486, %rem3A_477 : i32
          %jit3A_488 = arith.constant 8 : i32
          %div3A_489 = arith.divsi %select_n3A_487, %jit3A_488 : i32
          %sign3A_490 = arith.constant 0 : i32
          %sign3A_491 = arith.cmpi sgt, %select_n3A_487, %sign3A_490 : i32
          %sign3A_492 = arith.extui %sign3A_491 : i1 to i32
          %sign3A_493 = arith.constant 0 : i32
          %sign3A_494 = arith.cmpi slt, %select_n3A_487, %sign3A_493 : i32
          %sign3A_495 = arith.extui %sign3A_494 : i1 to i32
          %sign3A_496 = arith.subi %sign3A_492, %sign3A_495 : i32
          %sign3A_497 = arith.constant 0 : i32
          %sign3A_498 = arith.cmpi sgt, %jit3A_488, %sign3A_497 : i32
          %sign3A_499 = arith.extui %sign3A_498 : i1 to i32
          %sign3A_500 = arith.constant 0 : i32
          %sign3A_501 = arith.cmpi slt, %jit3A_488, %sign3A_500 : i32
          %sign3A_502 = arith.extui %sign3A_501 : i1 to i32
          %sign3A_503 = arith.subi %sign3A_499, %sign3A_502 : i32
          %ne3A_504 = arith.cmpi ne, %sign3A_496, %sign3A_503 : i32
          %rem3A_505 = arith.remsi %select_n3A_487, %jit3A_488 : i32
          %ne3A_506 = arith.constant 0 : i32
          %ne3A_507 = arith.cmpi ne, %rem3A_505, %ne3A_506 : i32
          %and3A_508 = arith.andi %ne3A_504, %ne3A_507 : i1
          %sub3A_509 = arith.constant 1 : i32
          %sub3A_510 = arith.subi %div3A_489, %sub3A_509 : i32
          %select_n3A_511 = arith.select %and3A_508, %sub3A_510, %div3A_489 : i32
          %jit3A_512 = arith.constant 8 : i32
          %eq3A_513 = arith.constant 0 : i32
          %eq3A_514 = arith.cmpi eq, %jit3A_512, %eq3A_513 : i32
          %jit3A_515 = arith.constant 1 : i32
          %select_n3A_516 = arith.select %eq3A_514, %jit3A_515, %jit3A_512 : i32
          %rem3A_517 = arith.remsi %select_n3A_487, %select_n3A_516 : i32
          %ne3A_518 = arith.constant 0 : i32
          %ne3A_519 = arith.cmpi ne, %rem3A_517, %ne3A_518 : i32
          %lt3A_520 = arith.constant 0 : i32
          %lt3A_521 = arith.cmpi slt, %rem3A_517, %lt3A_520 : i32
          %lt3A_522 = arith.constant 0 : i32
          %lt3A_523 = arith.cmpi slt, %select_n3A_516, %lt3A_522 : i32
          %ne3A_524 = arith.xori %lt3A_521, %lt3A_523 : i1
          %and3A_525 = arith.andi %ne3A_524, %ne3A_519 : i1
          %add3A_526 = arith.addi %rem3A_517, %select_n3A_516 : i32
          %select_n3A_527 = arith.select %and3A_525, %add3A_526, %rem3A_517 : i32
          %mul3A_528 = arith.constant 2 : i32
          %mul3A_529 = arith.muli %mul3A_528, %select_n3A_511 : i32
          %dma_start3A_530 = arith.constant 0 : i32
          %dma_start3A_531 = arith.constant 0 : i32
          %dma_start3A_532 = arith.constant 0 : i32
          %dma_start3A_533 = arith.constant 0 : i32
          %dma_start3A_534 = tpu.memref_slice %arg4[%rem3A_231, %dma_start3A_530, %dma_start3A_531, %dma_start3A_532, %dma_start3A_533] : memref<2x1x1x1x10000xi32, #tpu.memory_space<vmem>> -> memref<1x1x1x1x10000xi32, #tpu.memory_space<vmem>>
          %dma_start3A_535 = tpu.memref_squeeze %dma_start3A_534 : memref<1x1x1x1x10000xi32, #tpu.memory_space<vmem>> -> memref<1x1x1x10000xi32, #tpu.memory_space<vmem>>
          %dma_start3A_536 = arith.constant 0 : i32
          %dma_start3A_537 = tpu.memref_slice %arg2[%select_n3A_471, %mul3A_529, %select_n3A_527, %dma_start3A_536] : memref<2x18x8x10000xi32, #tpu.memory_space<hbm>> -> memref<1x1x1x10000xi32, #tpu.memory_space<hbm>>
          %dma_start3A_538 = tpu.memref_slice %arg5[%rem3A_231] : memref<2x!tpu.dma_semaphore, #tpu.memory_space<semaphore_mem>> -> memref<1x!tpu.dma_semaphore, #tpu.memory_space<semaphore_mem>>
          %dma_start3A_539 = tpu.memref_squeeze %dma_start3A_538 : memref<1x!tpu.dma_semaphore, #tpu.memory_space<semaphore_mem>> -> memref<!tpu.dma_semaphore, #tpu.memory_space<semaphore_mem>>
          %dma_start3A_540 = arith.constant 0 : i32
          %dma_start3A_541 = arith.constant 0 : i32
          %dma_start3A_542 = arith.constant 0 : i32
          %dma_start3A_543 = arith.constant 0 : i32
          %dma_start3A_544 = tpu.memref_slice %arg4[%rem3A_231, %dma_start3A_540, %dma_start3A_541, %dma_start3A_542, %dma_start3A_543] : memref<2x1x1x1x10000xi32, #tpu.memory_space<vmem>> -> memref<1x1x1x1x10000xi32, #tpu.memory_space<vmem>>
          %dma_start3A_545 = tpu.memref_squeeze %dma_start3A_544 : memref<1x1x1x1x10000xi32, #tpu.memory_space<vmem>> -> memref<1x1x1x10000xi32, #tpu.memory_space<vmem>>
          %dma_start3A_546 = arith.constant 0 : i32
          %dma_start3A_547 = tpu.memref_slice %arg2[%select_n3A_471, %mul3A_529, %select_n3A_527, %dma_start3A_546] : memref<2x18x8x10000xi32, #tpu.memory_space<hbm>> -> memref<1x1x1x10000xi32, #tpu.memory_space<hbm>>
          tpu.enqueue_dma source(%dma_start3A_547 : memref<1x1x1x10000xi32, #tpu.memory_space<hbm>>) target(%dma_start3A_545 : memref<1x1x1x10000xi32, #tpu.memory_space<vmem>>) target_semaphore(%dma_start3A_539 : memref<!tpu.dma_semaphore, #tpu.memory_space<semaphore_mem>>)
        } else {
        }
        %add3A_242 = arith.addi %add3A_4, %while3A_224 : i32
        %jit3A_243 = arith.constant 72 : i32
        %div3A_244 = arith.divsi %add3A_242, %jit3A_243 : i32
        %sign3A_245 = arith.constant 0 : i32
        %sign3A_246 = arith.cmpi sgt, %add3A_242, %sign3A_245 : i32
        %sign3A_247 = arith.extui %sign3A_246 : i1 to i32
        %sign3A_248 = arith.constant 0 : i32
        %sign3A_249 = arith.cmpi slt, %add3A_242, %sign3A_248 : i32
        %sign3A_250 = arith.extui %sign3A_249 : i1 to i32
        %sign3A_251 = arith.subi %sign3A_247, %sign3A_250 : i32
        %sign3A_252 = arith.constant 0 : i32
        %sign3A_253 = arith.cmpi sgt, %jit3A_243, %sign3A_252 : i32
        %sign3A_254 = arith.extui %sign3A_253 : i1 to i32
        %sign3A_255 = arith.constant 0 : i32
        %sign3A_256 = arith.cmpi slt, %jit3A_243, %sign3A_255 : i32
        %sign3A_257 = arith.extui %sign3A_256 : i1 to i32
        %sign3A_258 = arith.subi %sign3A_254, %sign3A_257 : i32
        %ne3A_259 = arith.cmpi ne, %sign3A_251, %sign3A_258 : i32
        %rem3A_260 = arith.remsi %add3A_242, %jit3A_243 : i32
        %ne3A_261 = arith.constant 0 : i32
        %ne3A_262 = arith.cmpi ne, %rem3A_260, %ne3A_261 : i32
        %and3A_263 = arith.andi %ne3A_259, %ne3A_262 : i1
        %sub3A_264 = arith.constant 1 : i32
        %sub3A_265 = arith.subi %div3A_244, %sub3A_264 : i32
        %select_n3A_266 = arith.select %and3A_263, %sub3A_265, %div3A_244 : i32
        %jit3A_267 = arith.constant 72 : i32
        %eq3A_268 = arith.constant 0 : i32
        %eq3A_269 = arith.cmpi eq, %jit3A_267, %eq3A_268 : i32
        %jit3A_270 = arith.constant 1 : i32
        %select_n3A_271 = arith.select %eq3A_269, %jit3A_270, %jit3A_267 : i32
        %rem3A_272 = arith.remsi %add3A_242, %select_n3A_271 : i32
        %ne3A_273 = arith.constant 0 : i32
        %ne3A_274 = arith.cmpi ne, %rem3A_272, %ne3A_273 : i32
        %lt3A_275 = arith.constant 0 : i32
        %lt3A_276 = arith.cmpi slt, %rem3A_272, %lt3A_275 : i32
        %lt3A_277 = arith.constant 0 : i32
        %lt3A_278 = arith.cmpi slt, %select_n3A_271, %lt3A_277 : i32
        %ne3A_279 = arith.xori %lt3A_276, %lt3A_278 : i1
        %and3A_280 = arith.andi %ne3A_279, %ne3A_274 : i1
        %add3A_281 = arith.addi %rem3A_272, %select_n3A_271 : i32
        %select_n3A_282 = arith.select %and3A_280, %add3A_281, %rem3A_272 : i32
        %jit3A_283 = arith.constant 8 : i32
        %div3A_284 = arith.divsi %select_n3A_282, %jit3A_283 : i32
        %sign3A_285 = arith.constant 0 : i32
        %sign3A_286 = arith.cmpi sgt, %select_n3A_282, %sign3A_285 : i32
        %sign3A_287 = arith.extui %sign3A_286 : i1 to i32
        %sign3A_288 = arith.constant 0 : i32
        %sign3A_289 = arith.cmpi slt, %select_n3A_282, %sign3A_288 : i32
        %sign3A_290 = arith.extui %sign3A_289 : i1 to i32
        %sign3A_291 = arith.subi %sign3A_287, %sign3A_290 : i32
        %sign3A_292 = arith.constant 0 : i32
        %sign3A_293 = arith.cmpi sgt, %jit3A_283, %sign3A_292 : i32
        %sign3A_294 = arith.extui %sign3A_293 : i1 to i32
        %sign3A_295 = arith.constant 0 : i32
        %sign3A_296 = arith.cmpi slt, %jit3A_283, %sign3A_295 : i32
        %sign3A_297 = arith.extui %sign3A_296 : i1 to i32
        %sign3A_298 = arith.subi %sign3A_294, %sign3A_297 : i32
        %ne3A_299 = arith.cmpi ne, %sign3A_291, %sign3A_298 : i32
        %rem3A_300 = arith.remsi %select_n3A_282, %jit3A_283 : i32
        %ne3A_301 = arith.constant 0 : i32
        %ne3A_302 = arith.cmpi ne, %rem3A_300, %ne3A_301 : i32
        %and3A_303 = arith.andi %ne3A_299, %ne3A_302 : i1
        %sub3A_304 = arith.constant 1 : i32
        %sub3A_305 = arith.subi %div3A_284, %sub3A_304 : i32
        %select_n3A_306 = arith.select %and3A_303, %sub3A_305, %div3A_284 : i32
        %jit3A_307 = arith.constant 8 : i32
        %eq3A_308 = arith.constant 0 : i32
        %eq3A_309 = arith.cmpi eq, %jit3A_307, %eq3A_308 : i32
        %jit3A_310 = arith.constant 1 : i32
        %select_n3A_311 = arith.select %eq3A_309, %jit3A_310, %jit3A_307 : i32
        %rem3A_312 = arith.remsi %select_n3A_282, %select_n3A_311 : i32
        %ne3A_313 = arith.constant 0 : i32
        %ne3A_314 = arith.cmpi ne, %rem3A_312, %ne3A_313 : i32
        %lt3A_315 = arith.constant 0 : i32
        %lt3A_316 = arith.cmpi slt, %rem3A_312, %lt3A_315 : i32
        %lt3A_317 = arith.constant 0 : i32
        %lt3A_318 = arith.cmpi slt, %select_n3A_311, %lt3A_317 : i32
        %ne3A_319 = arith.xori %lt3A_316, %lt3A_318 : i1
        %and3A_320 = arith.andi %ne3A_319, %ne3A_314 : i1
        %add3A_321 = arith.addi %rem3A_312, %select_n3A_311 : i32
        %select_n3A_322 = arith.select %and3A_320, %add3A_321, %rem3A_312 : i32
        %mul3A_323 = arith.constant 2 : i32
        %mul3A_324 = arith.muli %mul3A_323, %select_n3A_306 : i32
        %dma_wait3A_325 = arith.constant 0 : i32
        %dma_wait3A_326 = arith.constant 0 : i32
        %dma_wait3A_327 = arith.constant 0 : i32
        %dma_wait3A_328 = arith.constant 0 : i32
        %dma_wait3A_329 = tpu.memref_slice %arg4[%rem3A_227, %dma_wait3A_325, %dma_wait3A_326, %dma_wait3A_327, %dma_wait3A_328] : memref<2x1x1x1x10000xi32, #tpu.memory_space<vmem>> -> memref<1x1x1x1x10000xi32, #tpu.memory_space<vmem>>
        %dma_wait3A_330 = tpu.memref_squeeze %dma_wait3A_329 : memref<1x1x1x1x10000xi32, #tpu.memory_space<vmem>> -> memref<1x1x1x10000xi32, #tpu.memory_space<vmem>>
        %dma_wait3A_331 = arith.constant 0 : i32
        %dma_wait3A_332 = tpu.memref_slice %arg2[%select_n3A_266, %mul3A_324, %select_n3A_322, %dma_wait3A_331] : memref<2x18x8x10000xi32, #tpu.memory_space<hbm>> -> memref<1x1x1x10000xi32, #tpu.memory_space<hbm>>
        %dma_wait3A_333 = tpu.memref_slice %arg5[%rem3A_227] : memref<2x!tpu.dma_semaphore, #tpu.memory_space<semaphore_mem>> -> memref<1x!tpu.dma_semaphore, #tpu.memory_space<semaphore_mem>>
        %dma_wait3A_334 = tpu.memref_squeeze %dma_wait3A_333 : memref<1x!tpu.dma_semaphore, #tpu.memory_space<semaphore_mem>> -> memref<!tpu.dma_semaphore, #tpu.memory_space<semaphore_mem>>
        %dma_wait3A_335 = arith.constant 0 : i32
        %dma_wait3A_336 = arith.constant 0 : i32
        %dma_wait3A_337 = arith.constant 0 : i32
        %dma_wait3A_338 = arith.constant 0 : i32
        %dma_wait3A_339 = tpu.memref_slice %arg4[%rem3A_227, %dma_wait3A_335, %dma_wait3A_336, %dma_wait3A_337, %dma_wait3A_338] : memref<2x1x1x1x10000xi32, #tpu.memory_space<vmem>> -> memref<1x1x1x1x10000xi32, #tpu.memory_space<vmem>>
        %dma_wait3A_340 = tpu.memref_squeeze %dma_wait3A_339 : memref<1x1x1x1x10000xi32, #tpu.memory_space<vmem>> -> memref<1x1x1x10000xi32, #tpu.memory_space<vmem>>
        %dma_wait3A_341 = arith.constant 0 : i32
        %dma_wait3A_342 = tpu.memref_slice %arg2[%select_n3A_266, %mul3A_324, %select_n3A_322, %dma_wait3A_341] : memref<2x18x8x10000xi32, #tpu.memory_space<hbm>> -> memref<1x1x1x10000xi32, #tpu.memory_space<hbm>>
        tpu.wait_dma2 semaphore(%dma_wait3A_334 : memref<!tpu.dma_semaphore, #tpu.memory_space<semaphore_mem>>) src(%dma_wait3A_342 : memref<1x1x1x10000xi32, #tpu.memory_space<hbm>>) dst(%dma_wait3A_340 : memref<1x1x1x10000xi32, #tpu.memory_space<vmem>>)
        %add3A_343 = arith.addi %add3A_4, %while3A_224 : i32
        %jit3A_344 = arith.constant 72 : i32
        %div3A_345 = arith.divsi %add3A_343, %jit3A_344 : i32
        %sign3A_346 = arith.constant 0 : i32
        %sign3A_347 = arith.cmpi sgt, %add3A_343, %sign3A_346 : i32
        %sign3A_348 = arith.extui %sign3A_347 : i1 to i32
        %sign3A_349 = arith.constant 0 : i32
        %sign3A_350 = arith.cmpi slt, %add3A_343, %sign3A_349 : i32
        %sign3A_351 = arith.extui %sign3A_350 : i1 to i32
        %sign3A_352 = arith.subi %sign3A_348, %sign3A_351 : i32
        %sign3A_353 = arith.constant 0 : i32
        %sign3A_354 = arith.cmpi sgt, %jit3A_344, %sign3A_353 : i32
        %sign3A_355 = arith.extui %sign3A_354 : i1 to i32
        %sign3A_356 = arith.constant 0 : i32
        %sign3A_357 = arith.cmpi slt, %jit3A_344, %sign3A_356 : i32
        %sign3A_358 = arith.extui %sign3A_357 : i1 to i32
        %sign3A_359 = arith.subi %sign3A_355, %sign3A_358 : i32
        %ne3A_360 = arith.cmpi ne, %sign3A_352, %sign3A_359 : i32
        %rem3A_361 = arith.remsi %add3A_343, %jit3A_344 : i32
        %ne3A_362 = arith.constant 0 : i32
        %ne3A_363 = arith.cmpi ne, %rem3A_361, %ne3A_362 : i32
        %and3A_364 = arith.andi %ne3A_360, %ne3A_363 : i1
        %sub3A_365 = arith.constant 1 : i32
        %sub3A_366 = arith.subi %div3A_345, %sub3A_365 : i32
        %select_n3A_367 = arith.select %and3A_364, %sub3A_366, %div3A_345 : i32
        %jit3A_368 = arith.constant 72 : i32
        %eq3A_369 = arith.constant 0 : i32
        %eq3A_370 = arith.cmpi eq, %jit3A_368, %eq3A_369 : i32
        %jit3A_371 = arith.constant 1 : i32
        %select_n3A_372 = arith.select %eq3A_370, %jit3A_371, %jit3A_368 : i32
        %rem3A_373 = arith.remsi %add3A_343, %select_n3A_372 : i32
        %ne3A_374 = arith.constant 0 : i32
        %ne3A_375 = arith.cmpi ne, %rem3A_373, %ne3A_374 : i32
        %lt3A_376 = arith.constant 0 : i32
        %lt3A_377 = arith.cmpi slt, %rem3A_373, %lt3A_376 : i32
        %lt3A_378 = arith.constant 0 : i32
        %lt3A_379 = arith.cmpi slt, %select_n3A_372, %lt3A_378 : i32
        %ne3A_380 = arith.xori %lt3A_377, %lt3A_379 : i1
        %and3A_381 = arith.andi %ne3A_380, %ne3A_375 : i1
        %add3A_382 = arith.addi %rem3A_373, %select_n3A_372 : i32
        %select_n3A_383 = arith.select %and3A_381, %add3A_382, %rem3A_373 : i32
        %jit3A_384 = arith.constant 8 : i32
        %div3A_385 = arith.divsi %select_n3A_383, %jit3A_384 : i32
        %sign3A_386 = arith.constant 0 : i32
        %sign3A_387 = arith.cmpi sgt, %select_n3A_383, %sign3A_386 : i32
        %sign3A_388 = arith.extui %sign3A_387 : i1 to i32
        %sign3A_389 = arith.constant 0 : i32
        %sign3A_390 = arith.cmpi slt, %select_n3A_383, %sign3A_389 : i32
        %sign3A_391 = arith.extui %sign3A_390 : i1 to i32
        %sign3A_392 = arith.subi %sign3A_388, %sign3A_391 : i32
        %sign3A_393 = arith.constant 0 : i32
        %sign3A_394 = arith.cmpi sgt, %jit3A_384, %sign3A_393 : i32
        %sign3A_395 = arith.extui %sign3A_394 : i1 to i32
        %sign3A_396 = arith.constant 0 : i32
        %sign3A_397 = arith.cmpi slt, %jit3A_384, %sign3A_396 : i32
        %sign3A_398 = arith.extui %sign3A_397 : i1 to i32
        %sign3A_399 = arith.subi %sign3A_395, %sign3A_398 : i32
        %ne3A_400 = arith.cmpi ne, %sign3A_392, %sign3A_399 : i32
        %rem3A_401 = arith.remsi %select_n3A_383, %jit3A_384 : i32
        %ne3A_402 = arith.constant 0 : i32
        %ne3A_403 = arith.cmpi ne, %rem3A_401, %ne3A_402 : i32
        %and3A_404 = arith.andi %ne3A_400, %ne3A_403 : i1
        %sub3A_405 = arith.constant 1 : i32
        %sub3A_406 = arith.subi %div3A_385, %sub3A_405 : i32
        %select_n3A_407 = arith.select %and3A_404, %sub3A_406, %div3A_385 : i32
        %jit3A_408 = arith.constant 8 : i32
        %eq3A_409 = arith.constant 0 : i32
        %eq3A_410 = arith.cmpi eq, %jit3A_408, %eq3A_409 : i32
        %jit3A_411 = arith.constant 1 : i32
        %select_n3A_412 = arith.select %eq3A_410, %jit3A_411, %jit3A_408 : i32
        %rem3A_413 = arith.remsi %select_n3A_383, %select_n3A_412 : i32
        %ne3A_414 = arith.constant 0 : i32
        %ne3A_415 = arith.cmpi ne, %rem3A_413, %ne3A_414 : i32
        %lt3A_416 = arith.constant 0 : i32
        %lt3A_417 = arith.cmpi slt, %rem3A_413, %lt3A_416 : i32
        %lt3A_418 = arith.constant 0 : i32
        %lt3A_419 = arith.cmpi slt, %select_n3A_412, %lt3A_418 : i32
        %ne3A_420 = arith.xori %lt3A_417, %lt3A_419 : i1
        %and3A_421 = arith.andi %ne3A_420, %ne3A_415 : i1
        %add3A_422 = arith.addi %rem3A_413, %select_n3A_412 : i32
        %select_n3A_423 = arith.select %and3A_421, %add3A_422, %rem3A_413 : i32
        %mul3A_424 = arith.constant 2 : i32
        %mul3A_425 = arith.muli %mul3A_424, %select_n3A_407 : i32
        %dma_start3A_426 = arith.constant 0 : i32
        %dma_start3A_427 = arith.constant 0 : i32
        %dma_start3A_428 = arith.constant 0 : i32
        %dma_start3A_429 = arith.constant 0 : i32
        %dma_start3A_430 = tpu.memref_slice %arg4[%rem3A_227, %dma_start3A_426, %dma_start3A_427, %dma_start3A_428, %dma_start3A_429] : memref<2x1x1x1x10000xi32, #tpu.memory_space<vmem>> -> memref<1x1x1x1x10000xi32, #tpu.memory_space<vmem>>
        %dma_start3A_431 = tpu.memref_squeeze %dma_start3A_430 : memref<1x1x1x1x10000xi32, #tpu.memory_space<vmem>> -> memref<1x1x1x10000xi32, #tpu.memory_space<vmem>>
        %dma_start3A_432 = arith.constant 0 : i32
        %dma_start3A_433 = tpu.memref_slice %arg3[%select_n3A_367, %select_n3A_407, %select_n3A_423, %dma_start3A_432] : memref<2x9x8x10000xi32, #tpu.memory_space<hbm>> -> memref<1x1x1x10000xi32, #tpu.memory_space<hbm>>
        %dma_start3A_434 = tpu.memref_slice %arg6[%rem3A_227] : memref<2x!tpu.dma_semaphore, #tpu.memory_space<semaphore_mem>> -> memref<1x!tpu.dma_semaphore, #tpu.memory_space<semaphore_mem>>
        %dma_start3A_435 = tpu.memref_squeeze %dma_start3A_434 : memref<1x!tpu.dma_semaphore, #tpu.memory_space<semaphore_mem>> -> memref<!tpu.dma_semaphore, #tpu.memory_space<semaphore_mem>>
        %dma_start3A_436 = arith.constant 0 : i32
        %dma_start3A_437 = tpu.memref_slice %arg3[%select_n3A_367, %select_n3A_407, %select_n3A_423, %dma_start3A_436] : memref<2x9x8x10000xi32, #tpu.memory_space<hbm>> -> memref<1x1x1x10000xi32, #tpu.memory_space<hbm>>
        %dma_start3A_438 = arith.constant 0 : i32
        %dma_start3A_439 = arith.constant 0 : i32
        %dma_start3A_440 = arith.constant 0 : i32
        %dma_start3A_441 = arith.constant 0 : i32
        %dma_start3A_442 = tpu.memref_slice %arg4[%rem3A_227, %dma_start3A_438, %dma_start3A_439, %dma_start3A_440, %dma_start3A_441] : memref<2x1x1x1x10000xi32, #tpu.memory_space<vmem>> -> memref<1x1x1x1x10000xi32, #tpu.memory_space<vmem>>
        %dma_start3A_443 = tpu.memref_squeeze %dma_start3A_442 : memref<1x1x1x1x10000xi32, #tpu.memory_space<vmem>> -> memref<1x1x1x10000xi32, #tpu.memory_space<vmem>>
        tpu.enqueue_dma source(%dma_start3A_443 : memref<1x1x1x10000xi32, #tpu.memory_space<vmem>>) target(%dma_start3A_437 : memref<1x1x1x10000xi32, #tpu.memory_space<hbm>>) target_semaphore(%dma_start3A_435 : memref<!tpu.dma_semaphore, #tpu.memory_space<semaphore_mem>>)
        %while3A_444 = arith.constant 0 : i32
        scf.yield %while3A_444 : i32
      }
      %while3A_116 = arith.constant 1 : i32
      %while3A_117 = scf.for %while3A_224 = %while3A_113 to %while3A_109 step %while3A_116 iter_args(%while3A_225 = %while3A_115) -> (i32)  : i32 {
        %rem3A_226 = arith.constant 2 : i32
        %rem3A_227 = arith.remsi %while3A_224, %rem3A_226 : i32
        %add3A_228 = arith.constant 1 : i32
        %add3A_229 = arith.addi %while3A_224, %add3A_228 : i32
        %rem3A_230 = arith.constant 2 : i32
        %rem3A_231 = arith.remsi %add3A_229, %rem3A_230 : i32
        %ge3A = arith.constant 1 : i32
        %ge3A_232 = arith.cmpi sge, %while3A_224, %ge3A : i32
        %convert_element_type3A_233 = arith.extui %ge3A_232 : i1 to i32
        %cond3A_234 = arith.constant 0 : i32
        %cond3A_235 = arith.cmpi ne, %convert_element_type3A_233, %cond3A_234 : i32
        scf.if %cond3A_235 {
          %sub3A_445 = arith.constant 1 : i32
          %sub3A_446 = arith.subi %while3A_224, %sub3A_445 : i32
          %add3A_447 = arith.addi %add3A_4, %sub3A_446 : i32
          %jit3A_448 = arith.constant 72 : i32
          %div3A_449 = arith.divsi %add3A_447, %jit3A_448 : i32
          %sign3A_450 = arith.constant 0 : i32
          %sign3A_451 = arith.cmpi sgt, %add3A_447, %sign3A_450 : i32
          %sign3A_452 = arith.extui %sign3A_451 : i1 to i32
          %sign3A_453 = arith.constant 0 : i32
          %sign3A_454 = arith.cmpi slt, %add3A_447, %sign3A_453 : i32
          %sign3A_455 = arith.extui %sign3A_454 : i1 to i32
          %sign3A_456 = arith.subi %sign3A_452, %sign3A_455 : i32
          %sign3A_457 = arith.constant 0 : i32
          %sign3A_458 = arith.cmpi sgt, %jit3A_448, %sign3A_457 : i32
          %sign3A_459 = arith.extui %sign3A_458 : i1 to i32
          %sign3A_460 = arith.constant 0 : i32
          %sign3A_461 = arith.cmpi slt, %jit3A_448, %sign3A_460 : i32
          %sign3A_462 = arith.extui %sign3A_461 : i1 to i32
          %sign3A_463 = arith.subi %sign3A_459, %sign3A_462 : i32
          %ne3A_464 = arith.cmpi ne, %sign3A_456, %sign3A_463 : i32
          %rem3A_465 = arith.remsi %add3A_447, %jit3A_448 : i32
          %ne3A_466 = arith.constant 0 : i32
          %ne3A_467 = arith.cmpi ne, %rem3A_465, %ne3A_466 : i32
          %and3A_468 = arith.andi %ne3A_464, %ne3A_467 : i1
          %sub3A_469 = arith.constant 1 : i32
          %sub3A_470 = arith.subi %div3A_449, %sub3A_469 : i32
          %select_n3A_471 = arith.select %and3A_468, %sub3A_470, %div3A_449 : i32
          %jit3A_472 = arith.constant 72 : i32
          %eq3A_473 = arith.constant 0 : i32
          %eq3A_474 = arith.cmpi eq, %jit3A_472, %eq3A_473 : i32
          %jit3A_475 = arith.constant 1 : i32
          %select_n3A_476 = arith.select %eq3A_474, %jit3A_475, %jit3A_472 : i32
          %rem3A_477 = arith.remsi %add3A_447, %select_n3A_476 : i32
          %ne3A_478 = arith.constant 0 : i32
          %ne3A_479 = arith.cmpi ne, %rem3A_477, %ne3A_478 : i32
          %lt3A_480 = arith.constant 0 : i32
          %lt3A_481 = arith.cmpi slt, %rem3A_477, %lt3A_480 : i32
          %lt3A_482 = arith.constant 0 : i32
          %lt3A_483 = arith.cmpi slt, %select_n3A_476, %lt3A_482 : i32
          %ne3A_484 = arith.xori %lt3A_481, %lt3A_483 : i1
          %and3A_485 = arith.andi %ne3A_484, %ne3A_479 : i1
          %add3A_486 = arith.addi %rem3A_477, %select_n3A_476 : i32
          %select_n3A_487 = arith.select %and3A_485, %add3A_486, %rem3A_477 : i32
          %jit3A_488 = arith.constant 8 : i32
          %div3A_489 = arith.divsi %select_n3A_487, %jit3A_488 : i32
          %sign3A_490 = arith.constant 0 : i32
          %sign3A_491 = arith.cmpi sgt, %select_n3A_487, %sign3A_490 : i32
          %sign3A_492 = arith.extui %sign3A_491 : i1 to i32
          %sign3A_493 = arith.constant 0 : i32
          %sign3A_494 = arith.cmpi slt, %select_n3A_487, %sign3A_493 : i32
          %sign3A_495 = arith.extui %sign3A_494 : i1 to i32
          %sign3A_496 = arith.subi %sign3A_492, %sign3A_495 : i32
          %sign3A_497 = arith.constant 0 : i32
          %sign3A_498 = arith.cmpi sgt, %jit3A_488, %sign3A_497 : i32
          %sign3A_499 = arith.extui %sign3A_498 : i1 to i32
          %sign3A_500 = arith.constant 0 : i32
          %sign3A_501 = arith.cmpi slt, %jit3A_488, %sign3A_500 : i32
          %sign3A_502 = arith.extui %sign3A_501 : i1 to i32
          %sign3A_503 = arith.subi %sign3A_499, %sign3A_502 : i32
          %ne3A_504 = arith.cmpi ne, %sign3A_496, %sign3A_503 : i32
          %rem3A_505 = arith.remsi %select_n3A_487, %jit3A_488 : i32
          %ne3A_506 = arith.constant 0 : i32
          %ne3A_507 = arith.cmpi ne, %rem3A_505, %ne3A_506 : i32
          %and3A_508 = arith.andi %ne3A_504, %ne3A_507 : i1
          %sub3A_509 = arith.constant 1 : i32
          %sub3A_510 = arith.subi %div3A_489, %sub3A_509 : i32
          %select_n3A_511 = arith.select %and3A_508, %sub3A_510, %div3A_489 : i32
          %jit3A_512 = arith.constant 8 : i32
          %eq3A_513 = arith.constant 0 : i32
          %eq3A_514 = arith.cmpi eq, %jit3A_512, %eq3A_513 : i32
          %jit3A_515 = arith.constant 1 : i32
          %select_n3A_516 = arith.select %eq3A_514, %jit3A_515, %jit3A_512 : i32
          %rem3A_517 = arith.remsi %select_n3A_487, %select_n3A_516 : i32
          %ne3A_518 = arith.constant 0 : i32
          %ne3A_519 = arith.cmpi ne, %rem3A_517, %ne3A_518 : i32
          %lt3A_520 = arith.constant 0 : i32
          %lt3A_521 = arith.cmpi slt, %rem3A_517, %lt3A_520 : i32
          %lt3A_522 = arith.constant 0 : i32
          %lt3A_523 = arith.cmpi slt, %select_n3A_516, %lt3A_522 : i32
          %ne3A_524 = arith.xori %lt3A_521, %lt3A_523 : i1
          %and3A_525 = arith.andi %ne3A_524, %ne3A_519 : i1
          %add3A_526 = arith.addi %rem3A_517, %select_n3A_516 : i32
          %select_n3A_527 = arith.select %and3A_525, %add3A_526, %rem3A_517 : i32
          %mul3A_528 = arith.constant 2 : i32
          %mul3A_529 = arith.muli %mul3A_528, %select_n3A_511 : i32
          %dma_wait3A_530 = arith.constant 0 : i32
          %dma_wait3A_531 = arith.constant 0 : i32
          %dma_wait3A_532 = arith.constant 0 : i32
          %dma_wait3A_533 = arith.constant 0 : i32
          %dma_wait3A_534 = tpu.memref_slice %arg4[%rem3A_231, %dma_wait3A_530, %dma_wait3A_531, %dma_wait3A_532, %dma_wait3A_533] : memref<2x1x1x1x10000xi32, #tpu.memory_space<vmem>> -> memref<1x1x1x1x10000xi32, #tpu.memory_space<vmem>>
          %dma_wait3A_535 = tpu.memref_squeeze %dma_wait3A_534 : memref<1x1x1x1x10000xi32, #tpu.memory_space<vmem>> -> memref<1x1x1x10000xi32, #tpu.memory_space<vmem>>
          %dma_wait3A_536 = arith.constant 0 : i32
          %dma_wait3A_537 = tpu.memref_slice %arg3[%select_n3A_471, %select_n3A_511, %select_n3A_527, %dma_wait3A_536] : memref<2x9x8x10000xi32, #tpu.memory_space<hbm>> -> memref<1x1x1x10000xi32, #tpu.memory_space<hbm>>
          %dma_wait3A_538 = tpu.memref_slice %arg6[%rem3A_231] : memref<2x!tpu.dma_semaphore, #tpu.memory_space<semaphore_mem>> -> memref<1x!tpu.dma_semaphore, #tpu.memory_space<semaphore_mem>>
          %dma_wait3A_539 = tpu.memref_squeeze %dma_wait3A_538 : memref<1x!tpu.dma_semaphore, #tpu.memory_space<semaphore_mem>> -> memref<!tpu.dma_semaphore, #tpu.memory_space<semaphore_mem>>
          %dma_wait3A_540 = arith.constant 0 : i32
          %dma_wait3A_541 = tpu.memref_slice %arg3[%select_n3A_471, %select_n3A_511, %select_n3A_527, %dma_wait3A_540] : memref<2x9x8x10000xi32, #tpu.memory_space<hbm>> -> memref<1x1x1x10000xi32, #tpu.memory_space<hbm>>
          %dma_wait3A_542 = arith.constant 0 : i32
          %dma_wait3A_543 = arith.constant 0 : i32
          %dma_wait3A_544 = arith.constant 0 : i32
          %dma_wait3A_545 = arith.constant 0 : i32
          %dma_wait3A_546 = tpu.memref_slice %arg4[%rem3A_231, %dma_wait3A_542, %dma_wait3A_543, %dma_wait3A_544, %dma_wait3A_545] : memref<2x1x1x1x10000xi32, #tpu.memory_space<vmem>> -> memref<1x1x1x1x10000xi32, #tpu.memory_space<vmem>>
          %dma_wait3A_547 = tpu.memref_squeeze %dma_wait3A_546 : memref<1x1x1x1x10000xi32, #tpu.memory_space<vmem>> -> memref<1x1x1x10000xi32, #tpu.memory_space<vmem>>
          tpu.wait_dma2 semaphore(%dma_wait3A_539 : memref<!tpu.dma_semaphore, #tpu.memory_space<semaphore_mem>>) src(%dma_wait3A_547 : memref<1x1x1x10000xi32, #tpu.memory_space<vmem>>) dst(%dma_wait3A_541 : memref<1x1x1x10000xi32, #tpu.memory_space<hbm>>)
        } else {
        }
        %add3A_236 = arith.constant 1 : i32
        %add3A_237 = arith.addi %while3A_224, %add3A_236 : i32
        %lt3A_238 = arith.cmpi slt, %add3A_237, %add3A_8 : i32
        %convert_element_type3A_239 = arith.extui %lt3A_238 : i1 to i32
        %cond3A_240 = arith.constant 0 : i32
        %cond3A_241 = arith.cmpi ne, %convert_element_type3A_239, %cond3A_240 : i32
        scf.if %cond3A_241 {
          %add3A_445 = arith.constant 1 : i32
          %add3A_446 = arith.addi %while3A_224, %add3A_445 : i32
          %add3A_447 = arith.addi %add3A_4, %add3A_446 : i32
          %jit3A_448 = arith.constant 72 : i32
          %div3A_449 = arith.divsi %add3A_447, %jit3A_448 : i32
          %sign3A_450 = arith.constant 0 : i32
          %sign3A_451 = arith.cmpi sgt, %add3A_447, %sign3A_450 : i32
          %sign3A_452 = arith.extui %sign3A_451 : i1 to i32
          %sign3A_453 = arith.constant 0 : i32
          %sign3A_454 = arith.cmpi slt, %add3A_447, %sign3A_453 : i32
          %sign3A_455 = arith.extui %sign3A_454 : i1 to i32
          %sign3A_456 = arith.subi %sign3A_452, %sign3A_455 : i32
          %sign3A_457 = arith.constant 0 : i32
          %sign3A_458 = arith.cmpi sgt, %jit3A_448, %sign3A_457 : i32
          %sign3A_459 = arith.extui %sign3A_458 : i1 to i32
          %sign3A_460 = arith.constant 0 : i32
          %sign3A_461 = arith.cmpi slt, %jit3A_448, %sign3A_460 : i32
          %sign3A_462 = arith.extui %sign3A_461 : i1 to i32
          %sign3A_463 = arith.subi %sign3A_459, %sign3A_462 : i32
          %ne3A_464 = arith.cmpi ne, %sign3A_456, %sign3A_463 : i32
          %rem3A_465 = arith.remsi %add3A_447, %jit3A_448 : i32
          %ne3A_466 = arith.constant 0 : i32
          %ne3A_467 = arith.cmpi ne, %rem3A_465, %ne3A_466 : i32
          %and3A_468 = arith.andi %ne3A_464, %ne3A_467 : i1
          %sub3A_469 = arith.constant 1 : i32
          %sub3A_470 = arith.subi %div3A_449, %sub3A_469 : i32
          %select_n3A_471 = arith.select %and3A_468, %sub3A_470, %div3A_449 : i32
          %jit3A_472 = arith.constant 72 : i32
          %eq3A_473 = arith.constant 0 : i32
          %eq3A_474 = arith.cmpi eq, %jit3A_472, %eq3A_473 : i32
          %jit3A_475 = arith.constant 1 : i32
          %select_n3A_476 = arith.select %eq3A_474, %jit3A_475, %jit3A_472 : i32
          %rem3A_477 = arith.remsi %add3A_447, %select_n3A_476 : i32
          %ne3A_478 = arith.constant 0 : i32
          %ne3A_479 = arith.cmpi ne, %rem3A_477, %ne3A_478 : i32
          %lt3A_480 = arith.constant 0 : i32
          %lt3A_481 = arith.cmpi slt, %rem3A_477, %lt3A_480 : i32
          %lt3A_482 = arith.constant 0 : i32
          %lt3A_483 = arith.cmpi slt, %select_n3A_476, %lt3A_482 : i32
          %ne3A_484 = arith.xori %lt3A_481, %lt3A_483 : i1
          %and3A_485 = arith.andi %ne3A_484, %ne3A_479 : i1
          %add3A_486 = arith.addi %rem3A_477, %select_n3A_476 : i32
          %select_n3A_487 = arith.select %and3A_485, %add3A_486, %rem3A_477 : i32
          %jit3A_488 = arith.constant 8 : i32
          %div3A_489 = arith.divsi %select_n3A_487, %jit3A_488 : i32
          %sign3A_490 = arith.constant 0 : i32
          %sign3A_491 = arith.cmpi sgt, %select_n3A_487, %sign3A_490 : i32
          %sign3A_492 = arith.extui %sign3A_491 : i1 to i32
          %sign3A_493 = arith.constant 0 : i32
          %sign3A_494 = arith.cmpi slt, %select_n3A_487, %sign3A_493 : i32
          %sign3A_495 = arith.extui %sign3A_494 : i1 to i32
          %sign3A_496 = arith.subi %sign3A_492, %sign3A_495 : i32
          %sign3A_497 = arith.constant 0 : i32
          %sign3A_498 = arith.cmpi sgt, %jit3A_488, %sign3A_497 : i32
          %sign3A_499 = arith.extui %sign3A_498 : i1 to i32
          %sign3A_500 = arith.constant 0 : i32
          %sign3A_501 = arith.cmpi slt, %jit3A_488, %sign3A_500 : i32
          %sign3A_502 = arith.extui %sign3A_501 : i1 to i32
          %sign3A_503 = arith.subi %sign3A_499, %sign3A_502 : i32
          %ne3A_504 = arith.cmpi ne, %sign3A_496, %sign3A_503 : i32
          %rem3A_505 = arith.remsi %select_n3A_487, %jit3A_488 : i32
          %ne3A_506 = arith.constant 0 : i32
          %ne3A_507 = arith.cmpi ne, %rem3A_505, %ne3A_506 : i32
          %and3A_508 = arith.andi %ne3A_504, %ne3A_507 : i1
          %sub3A_509 = arith.constant 1 : i32
          %sub3A_510 = arith.subi %div3A_489, %sub3A_509 : i32
          %select_n3A_511 = arith.select %and3A_508, %sub3A_510, %div3A_489 : i32
          %jit3A_512 = arith.constant 8 : i32
          %eq3A_513 = arith.constant 0 : i32
          %eq3A_514 = arith.cmpi eq, %jit3A_512, %eq3A_513 : i32
          %jit3A_515 = arith.constant 1 : i32
          %select_n3A_516 = arith.select %eq3A_514, %jit3A_515, %jit3A_512 : i32
          %rem3A_517 = arith.remsi %select_n3A_487, %select_n3A_516 : i32
          %ne3A_518 = arith.constant 0 : i32
          %ne3A_519 = arith.cmpi ne, %rem3A_517, %ne3A_518 : i32
          %lt3A_520 = arith.constant 0 : i32
          %lt3A_521 = arith.cmpi slt, %rem3A_517, %lt3A_520 : i32
          %lt3A_522 = arith.constant 0 : i32
          %lt3A_523 = arith.cmpi slt, %select_n3A_516, %lt3A_522 : i32
          %ne3A_524 = arith.xori %lt3A_521, %lt3A_523 : i1
          %and3A_525 = arith.andi %ne3A_524, %ne3A_519 : i1
          %add3A_526 = arith.addi %rem3A_517, %select_n3A_516 : i32
          %select_n3A_527 = arith.select %and3A_525, %add3A_526, %rem3A_517 : i32
          %mul3A_528 = arith.constant 2 : i32
          %mul3A_529 = arith.muli %mul3A_528, %select_n3A_511 : i32
          %dma_start3A_530 = arith.constant 0 : i32
          %dma_start3A_531 = arith.constant 0 : i32
          %dma_start3A_532 = arith.constant 0 : i32
          %dma_start3A_533 = arith.constant 0 : i32
          %dma_start3A_534 = tpu.memref_slice %arg4[%rem3A_231, %dma_start3A_530, %dma_start3A_531, %dma_start3A_532, %dma_start3A_533] : memref<2x1x1x1x10000xi32, #tpu.memory_space<vmem>> -> memref<1x1x1x1x10000xi32, #tpu.memory_space<vmem>>
          %dma_start3A_535 = tpu.memref_squeeze %dma_start3A_534 : memref<1x1x1x1x10000xi32, #tpu.memory_space<vmem>> -> memref<1x1x1x10000xi32, #tpu.memory_space<vmem>>
          %dma_start3A_536 = arith.constant 0 : i32
          %dma_start3A_537 = tpu.memref_slice %arg2[%select_n3A_471, %mul3A_529, %select_n3A_527, %dma_start3A_536] : memref<2x18x8x10000xi32, #tpu.memory_space<hbm>> -> memref<1x1x1x10000xi32, #tpu.memory_space<hbm>>
          %dma_start3A_538 = tpu.memref_slice %arg5[%rem3A_231] : memref<2x!tpu.dma_semaphore, #tpu.memory_space<semaphore_mem>> -> memref<1x!tpu.dma_semaphore, #tpu.memory_space<semaphore_mem>>
          %dma_start3A_539 = tpu.memref_squeeze %dma_start3A_538 : memref<1x!tpu.dma_semaphore, #tpu.memory_space<semaphore_mem>> -> memref<!tpu.dma_semaphore, #tpu.memory_space<semaphore_mem>>
          %dma_start3A_540 = arith.constant 0 : i32
          %dma_start3A_541 = arith.constant 0 : i32
          %dma_start3A_542 = arith.constant 0 : i32
          %dma_start3A_543 = arith.constant 0 : i32
          %dma_start3A_544 = tpu.memref_slice %arg4[%rem3A_231, %dma_start3A_540, %dma_start3A_541, %dma_start3A_542, %dma_start3A_543] : memref<2x1x1x1x10000xi32, #tpu.memory_space<vmem>> -> memref<1x1x1x1x10000xi32, #tpu.memory_space<vmem>>
          %dma_start3A_545 = tpu.memref_squeeze %dma_start3A_544 : memref<1x1x1x1x10000xi32, #tpu.memory_space<vmem>> -> memref<1x1x1x10000xi32, #tpu.memory_space<vmem>>
          %dma_start3A_546 = arith.constant 0 : i32
          %dma_start3A_547 = tpu.memref_slice %arg2[%select_n3A_471, %mul3A_529, %select_n3A_527, %dma_start3A_546] : memref<2x18x8x10000xi32, #tpu.memory_space<hbm>> -> memref<1x1x1x10000xi32, #tpu.memory_space<hbm>>
          tpu.enqueue_dma source(%dma_start3A_547 : memref<1x1x1x10000xi32, #tpu.memory_space<hbm>>) target(%dma_start3A_545 : memref<1x1x1x10000xi32, #tpu.memory_space<vmem>>) target_semaphore(%dma_start3A_539 : memref<!tpu.dma_semaphore, #tpu.memory_space<semaphore_mem>>)
        } else {
        }
        %add3A_242 = arith.addi %add3A_4, %while3A_224 : i32
        %jit3A_243 = arith.constant 72 : i32
        %div3A_244 = arith.divsi %add3A_242, %jit3A_243 : i32
        %sign3A_245 = arith.constant 0 : i32
        %sign3A_246 = arith.cmpi sgt, %add3A_242, %sign3A_245 : i32
        %sign3A_247 = arith.extui %sign3A_246 : i1 to i32
        %sign3A_248 = arith.constant 0 : i32
        %sign3A_249 = arith.cmpi slt, %add3A_242, %sign3A_248 : i32
        %sign3A_250 = arith.extui %sign3A_249 : i1 to i32
        %sign3A_251 = arith.subi %sign3A_247, %sign3A_250 : i32
        %sign3A_252 = arith.constant 0 : i32
        %sign3A_253 = arith.cmpi sgt, %jit3A_243, %sign3A_252 : i32
        %sign3A_254 = arith.extui %sign3A_253 : i1 to i32
        %sign3A_255 = arith.constant 0 : i32
        %sign3A_256 = arith.cmpi slt, %jit3A_243, %sign3A_255 : i32
        %sign3A_257 = arith.extui %sign3A_256 : i1 to i32
        %sign3A_258 = arith.subi %sign3A_254, %sign3A_257 : i32
        %ne3A_259 = arith.cmpi ne, %sign3A_251, %sign3A_258 : i32
        %rem3A_260 = arith.remsi %add3A_242, %jit3A_243 : i32
        %ne3A_261 = arith.constant 0 : i32
        %ne3A_262 = arith.cmpi ne, %rem3A_260, %ne3A_261 : i32
        %and3A_263 = arith.andi %ne3A_259, %ne3A_262 : i1
        %sub3A_264 = arith.constant 1 : i32
        %sub3A_265 = arith.subi %div3A_244, %sub3A_264 : i32
        %select_n3A_266 = arith.select %and3A_263, %sub3A_265, %div3A_244 : i32
        %jit3A_267 = arith.constant 72 : i32
        %eq3A_268 = arith.constant 0 : i32
        %eq3A_269 = arith.cmpi eq, %jit3A_267, %eq3A_268 : i32
        %jit3A_270 = arith.constant 1 : i32
        %select_n3A_271 = arith.select %eq3A_269, %jit3A_270, %jit3A_267 : i32
        %rem3A_272 = arith.remsi %add3A_242, %select_n3A_271 : i32
        %ne3A_273 = arith.constant 0 : i32
        %ne3A_274 = arith.cmpi ne, %rem3A_272, %ne3A_273 : i32
        %lt3A_275 = arith.constant 0 : i32
        %lt3A_276 = arith.cmpi slt, %rem3A_272, %lt3A_275 : i32
        %lt3A_277 = arith.constant 0 : i32
        %lt3A_278 = arith.cmpi slt, %select_n3A_271, %lt3A_277 : i32
        %ne3A_279 = arith.xori %lt3A_276, %lt3A_278 : i1
        %and3A_280 = arith.andi %ne3A_279, %ne3A_274 : i1
        %add3A_281 = arith.addi %rem3A_272, %select_n3A_271 : i32
        %select_n3A_282 = arith.select %and3A_280, %add3A_281, %rem3A_272 : i32
        %jit3A_283 = arith.constant 8 : i32
        %div3A_284 = arith.divsi %select_n3A_282, %jit3A_283 : i32
        %sign3A_285 = arith.constant 0 : i32
        %sign3A_286 = arith.cmpi sgt, %select_n3A_282, %sign3A_285 : i32
        %sign3A_287 = arith.extui %sign3A_286 : i1 to i32
        %sign3A_288 = arith.constant 0 : i32
        %sign3A_289 = arith.cmpi slt, %select_n3A_282, %sign3A_288 : i32
        %sign3A_290 = arith.extui %sign3A_289 : i1 to i32
        %sign3A_291 = arith.subi %sign3A_287, %sign3A_290 : i32
        %sign3A_292 = arith.constant 0 : i32
        %sign3A_293 = arith.cmpi sgt, %jit3A_283, %sign3A_292 : i32
        %sign3A_294 = arith.extui %sign3A_293 : i1 to i32
        %sign3A_295 = arith.constant 0 : i32
        %sign3A_296 = arith.cmpi slt, %jit3A_283, %sign3A_295 : i32
        %sign3A_297 = arith.extui %sign3A_296 : i1 to i32
        %sign3A_298 = arith.subi %sign3A_294, %sign3A_297 : i32
        %ne3A_299 = arith.cmpi ne, %sign3A_291, %sign3A_298 : i32
        %rem3A_300 = arith.remsi %select_n3A_282, %jit3A_283 : i32
        %ne3A_301 = arith.constant 0 : i32
        %ne3A_302 = arith.cmpi ne, %rem3A_300, %ne3A_301 : i32
        %and3A_303 = arith.andi %ne3A_299, %ne3A_302 : i1
        %sub3A_304 = arith.constant 1 : i32
        %sub3A_305 = arith.subi %div3A_284, %sub3A_304 : i32
        %select_n3A_306 = arith.select %and3A_303, %sub3A_305, %div3A_284 : i32
        %jit3A_307 = arith.constant 8 : i32
        %eq3A_308 = arith.constant 0 : i32
        %eq3A_309 = arith.cmpi eq, %jit3A_307, %eq3A_308 : i32
        %jit3A_310 = arith.constant 1 : i32
        %select_n3A_311 = arith.select %eq3A_309, %jit3A_310, %jit3A_307 : i32
        %rem3A_312 = arith.remsi %select_n3A_282, %select_n3A_311 : i32
        %ne3A_313 = arith.constant 0 : i32
        %ne3A_314 = arith.cmpi ne, %rem3A_312, %ne3A_313 : i32
        %lt3A_315 = arith.constant 0 : i32
        %lt3A_316 = arith.cmpi slt, %rem3A_312, %lt3A_315 : i32
        %lt3A_317 = arith.constant 0 : i32
        %lt3A_318 = arith.cmpi slt, %select_n3A_311, %lt3A_317 : i32
        %ne3A_319 = arith.xori %lt3A_316, %lt3A_318 : i1
        %and3A_320 = arith.andi %ne3A_319, %ne3A_314 : i1
        %add3A_321 = arith.addi %rem3A_312, %select_n3A_311 : i32
        %select_n3A_322 = arith.select %and3A_320, %add3A_321, %rem3A_312 : i32
        %mul3A_323 = arith.constant 2 : i32
        %mul3A_324 = arith.muli %mul3A_323, %select_n3A_306 : i32
        %dma_wait3A_325 = arith.constant 0 : i32
        %dma_wait3A_326 = arith.constant 0 : i32
        %dma_wait3A_327 = arith.constant 0 : i32
        %dma_wait3A_328 = arith.constant 0 : i32
        %dma_wait3A_329 = tpu.memref_slice %arg4[%rem3A_227, %dma_wait3A_325, %dma_wait3A_326, %dma_wait3A_327, %dma_wait3A_328] : memref<2x1x1x1x10000xi32, #tpu.memory_space<vmem>> -> memref<1x1x1x1x10000xi32, #tpu.memory_space<vmem>>
        %dma_wait3A_330 = tpu.memref_squeeze %dma_wait3A_329 : memref<1x1x1x1x10000xi32, #tpu.memory_space<vmem>> -> memref<1x1x1x10000xi32, #tpu.memory_space<vmem>>
        %dma_wait3A_331 = arith.constant 0 : i32
        %dma_wait3A_332 = tpu.memref_slice %arg2[%select_n3A_266, %mul3A_324, %select_n3A_322, %dma_wait3A_331] : memref<2x18x8x10000xi32, #tpu.memory_space<hbm>> -> memref<1x1x1x10000xi32, #tpu.memory_space<hbm>>
        %dma_wait3A_333 = tpu.memref_slice %arg5[%rem3A_227] : memref<2x!tpu.dma_semaphore, #tpu.memory_space<semaphore_mem>> -> memref<1x!tpu.dma_semaphore, #tpu.memory_space<semaphore_mem>>
        %dma_wait3A_334 = tpu.memref_squeeze %dma_wait3A_333 : memref<1x!tpu.dma_semaphore, #tpu.memory_space<semaphore_mem>> -> memref<!tpu.dma_semaphore, #tpu.memory_space<semaphore_mem>>
        %dma_wait3A_335 = arith.constant 0 : i32
        %dma_wait3A_336 = arith.constant 0 : i32
        %dma_wait3A_337 = arith.constant 0 : i32
        %dma_wait3A_338 = arith.constant 0 : i32
        %dma_wait3A_339 = tpu.memref_slice %arg4[%rem3A_227, %dma_wait3A_335, %dma_wait3A_336, %dma_wait3A_337, %dma_wait3A_338] : memref<2x1x1x1x10000xi32, #tpu.memory_space<vmem>> -> memref<1x1x1x1x10000xi32, #tpu.memory_space<vmem>>
        %dma_wait3A_340 = tpu.memref_squeeze %dma_wait3A_339 : memref<1x1x1x1x10000xi32, #tpu.memory_space<vmem>> -> memref<1x1x1x10000xi32, #tpu.memory_space<vmem>>
        %dma_wait3A_341 = arith.constant 0 : i32
        %dma_wait3A_342 = tpu.memref_slice %arg2[%select_n3A_266, %mul3A_324, %select_n3A_322, %dma_wait3A_341] : memref<2x18x8x10000xi32, #tpu.memory_space<hbm>> -> memref<1x1x1x10000xi32, #tpu.memory_space<hbm>>
        tpu.wait_dma2 semaphore(%dma_wait3A_334 : memref<!tpu.dma_semaphore, #tpu.memory_space<semaphore_mem>>) src(%dma_wait3A_342 : memref<1x1x1x10000xi32, #tpu.memory_space<hbm>>) dst(%dma_wait3A_340 : memref<1x1x1x10000xi32, #tpu.memory_space<vmem>>)
        %add3A_343 = arith.addi %add3A_4, %while3A_224 : i32
        %jit3A_344 = arith.constant 72 : i32
        %div3A_345 = arith.divsi %add3A_343, %jit3A_344 : i32
        %sign3A_346 = arith.constant 0 : i32
        %sign3A_347 = arith.cmpi sgt, %add3A_343, %sign3A_346 : i32
        %sign3A_348 = arith.extui %sign3A_347 : i1 to i32
        %sign3A_349 = arith.constant 0 : i32
        %sign3A_350 = arith.cmpi slt, %add3A_343, %sign3A_349 : i32
        %sign3A_351 = arith.extui %sign3A_350 : i1 to i32
        %sign3A_352 = arith.subi %sign3A_348, %sign3A_351 : i32
        %sign3A_353 = arith.constant 0 : i32
        %sign3A_354 = arith.cmpi sgt, %jit3A_344, %sign3A_353 : i32
        %sign3A_355 = arith.extui %sign3A_354 : i1 to i32
        %sign3A_356 = arith.constant 0 : i32
        %sign3A_357 = arith.cmpi slt, %jit3A_344, %sign3A_356 : i32
        %sign3A_358 = arith.extui %sign3A_357 : i1 to i32
        %sign3A_359 = arith.subi %sign3A_355, %sign3A_358 : i32
        %ne3A_360 = arith.cmpi ne, %sign3A_352, %sign3A_359 : i32
        %rem3A_361 = arith.remsi %add3A_343, %jit3A_344 : i32
        %ne3A_362 = arith.constant 0 : i32
        %ne3A_363 = arith.cmpi ne, %rem3A_361, %ne3A_362 : i32
        %and3A_364 = arith.andi %ne3A_360, %ne3A_363 : i1
        %sub3A_365 = arith.constant 1 : i32
        %sub3A_366 = arith.subi %div3A_345, %sub3A_365 : i32
        %select_n3A_367 = arith.select %and3A_364, %sub3A_366, %div3A_345 : i32
        %jit3A_368 = arith.constant 72 : i32
        %eq3A_369 = arith.constant 0 : i32
        %eq3A_370 = arith.cmpi eq, %jit3A_368, %eq3A_369 : i32
        %jit3A_371 = arith.constant 1 : i32
        %select_n3A_372 = arith.select %eq3A_370, %jit3A_371, %jit3A_368 : i32
        %rem3A_373 = arith.remsi %add3A_343, %select_n3A_372 : i32
        %ne3A_374 = arith.constant 0 : i32
        %ne3A_375 = arith.cmpi ne, %rem3A_373, %ne3A_374 : i32
        %lt3A_376 = arith.constant 0 : i32
        %lt3A_377 = arith.cmpi slt, %rem3A_373, %lt3A_376 : i32
        %lt3A_378 = arith.constant 0 : i32
        %lt3A_379 = arith.cmpi slt, %select_n3A_372, %lt3A_378 : i32
        %ne3A_380 = arith.xori %lt3A_377, %lt3A_379 : i1
        %and3A_381 = arith.andi %ne3A_380, %ne3A_375 : i1
        %add3A_382 = arith.addi %rem3A_373, %select_n3A_372 : i32
        %select_n3A_383 = arith.select %and3A_381, %add3A_382, %rem3A_373 : i32
        %jit3A_384 = arith.constant 8 : i32
        %div3A_385 = arith.divsi %select_n3A_383, %jit3A_384 : i32
        %sign3A_386 = arith.constant 0 : i32
        %sign3A_387 = arith.cmpi sgt, %select_n3A_383, %sign3A_386 : i32
        %sign3A_388 = arith.extui %sign3A_387 : i1 to i32
        %sign3A_389 = arith.constant 0 : i32
        %sign3A_390 = arith.cmpi slt, %select_n3A_383, %sign3A_389 : i32
        %sign3A_391 = arith.extui %sign3A_390 : i1 to i32
        %sign3A_392 = arith.subi %sign3A_388, %sign3A_391 : i32
        %sign3A_393 = arith.constant 0 : i32
        %sign3A_394 = arith.cmpi sgt, %jit3A_384, %sign3A_393 : i32
        %sign3A_395 = arith.extui %sign3A_394 : i1 to i32
        %sign3A_396 = arith.constant 0 : i32
        %sign3A_397 = arith.cmpi slt, %jit3A_384, %sign3A_396 : i32
        %sign3A_398 = arith.extui %sign3A_397 : i1 to i32
        %sign3A_399 = arith.subi %sign3A_395, %sign3A_398 : i32
        %ne3A_400 = arith.cmpi ne, %sign3A_392, %sign3A_399 : i32
        %rem3A_401 = arith.remsi %select_n3A_383, %jit3A_384 : i32
        %ne3A_402 = arith.constant 0 : i32
        %ne3A_403 = arith.cmpi ne, %rem3A_401, %ne3A_402 : i32
        %and3A_404 = arith.andi %ne3A_400, %ne3A_403 : i1
        %sub3A_405 = arith.constant 1 : i32
        %sub3A_406 = arith.subi %div3A_385, %sub3A_405 : i32
        %select_n3A_407 = arith.select %and3A_404, %sub3A_406, %div3A_385 : i32
        %jit3A_408 = arith.constant 8 : i32
        %eq3A_409 = arith.constant 0 : i32
        %eq3A_410 = arith.cmpi eq, %jit3A_408, %eq3A_409 : i32
        %jit3A_411 = arith.constant 1 : i32
        %select_n3A_412 = arith.select %eq3A_410, %jit3A_411, %jit3A_408 : i32
        %rem3A_413 = arith.remsi %select_n3A_383, %select_n3A_412 : i32
        %ne3A_414 = arith.constant 0 : i32
        %ne3A_415 = arith.cmpi ne, %rem3A_413, %ne3A_414 : i32
        %lt3A_416 = arith.constant 0 : i32
        %lt3A_417 = arith.cmpi slt, %rem3A_413, %lt3A_416 : i32
        %lt3A_418 = arith.constant 0 : i32
        %lt3A_419 = arith.cmpi slt, %select_n3A_412, %lt3A_418 : i32
        %ne3A_420 = arith.xori %lt3A_417, %lt3A_419 : i1
        %and3A_421 = arith.andi %ne3A_420, %ne3A_415 : i1
        %add3A_422 = arith.addi %rem3A_413, %select_n3A_412 : i32
        %select_n3A_423 = arith.select %and3A_421, %add3A_422, %rem3A_413 : i32
        %mul3A_424 = arith.constant 2 : i32
        %mul3A_425 = arith.muli %mul3A_424, %select_n3A_407 : i32
        %dma_start3A_426 = arith.constant 0 : i32
        %dma_start3A_427 = arith.constant 0 : i32
        %dma_start3A_428 = arith.constant 0 : i32
        %dma_start3A_429 = arith.constant 0 : i32
        %dma_start3A_430 = tpu.memref_slice %arg4[%rem3A_227, %dma_start3A_426, %dma_start3A_427, %dma_start3A_428, %dma_start3A_429] : memref<2x1x1x1x10000xi32, #tpu.memory_space<vmem>> -> memref<1x1x1x1x10000xi32, #tpu.memory_space<vmem>>
        %dma_start3A_431 = tpu.memref_squeeze %dma_start3A_430 : memref<1x1x1x1x10000xi32, #tpu.memory_space<vmem>> -> memref<1x1x1x10000xi32, #tpu.memory_space<vmem>>
        %dma_start3A_432 = arith.constant 0 : i32
        %dma_start3A_433 = tpu.memref_slice %arg3[%select_n3A_367, %select_n3A_407, %select_n3A_423, %dma_start3A_432] : memref<2x9x8x10000xi32, #tpu.memory_space<hbm>> -> memref<1x1x1x10000xi32, #tpu.memory_space<hbm>>
        %dma_start3A_434 = tpu.memref_slice %arg6[%rem3A_227] : memref<2x!tpu.dma_semaphore, #tpu.memory_space<semaphore_mem>> -> memref<1x!tpu.dma_semaphore, #tpu.memory_space<semaphore_mem>>
        %dma_start3A_435 = tpu.memref_squeeze %dma_start3A_434 : memref<1x!tpu.dma_semaphore, #tpu.memory_space<semaphore_mem>> -> memref<!tpu.dma_semaphore, #tpu.memory_space<semaphore_mem>>
        %dma_start3A_436 = arith.constant 0 : i32
        %dma_start3A_437 = tpu.memref_slice %arg3[%select_n3A_367, %select_n3A_407, %select_n3A_423, %dma_start3A_436] : memref<2x9x8x10000xi32, #tpu.memory_space<hbm>> -> memref<1x1x1x10000xi32, #tpu.memory_space<hbm>>
        %dma_start3A_438 = arith.constant 0 : i32
        %dma_start3A_439 = arith.constant 0 : i32
        %dma_start3A_440 = arith.constant 0 : i32
        %dma_start3A_441 = arith.constant 0 : i32
        %dma_start3A_442 = tpu.memref_slice %arg4[%rem3A_227, %dma_start3A_438, %dma_start3A_439, %dma_start3A_440, %dma_start3A_441] : memref<2x1x1x1x10000xi32, #tpu.memory_space<vmem>> -> memref<1x1x1x1x10000xi32, #tpu.memory_space<vmem>>
        %dma_start3A_443 = tpu.memref_squeeze %dma_start3A_442 : memref<1x1x1x1x10000xi32, #tpu.memory_space<vmem>> -> memref<1x1x1x10000xi32, #tpu.memory_space<vmem>>
        tpu.enqueue_dma source(%dma_start3A_443 : memref<1x1x1x10000xi32, #tpu.memory_space<vmem>>) target(%dma_start3A_437 : memref<1x1x1x10000xi32, #tpu.memory_space<hbm>>) target_semaphore(%dma_start3A_435 : memref<!tpu.dma_semaphore, #tpu.memory_space<semaphore_mem>>)
        %while3A_444 = arith.constant 0 : i32
        scf.yield %while3A_444 : i32
      }
      %sub3A_118 = arith.constant 1 : i32
      %sub3A_119 = arith.subi %add3A_8, %sub3A_118 : i32
      %sub3A_120 = arith.constant 1 : i32
      %sub3A_121 = arith.subi %add3A_8, %sub3A_120 : i32
      %rem3A_122 = arith.constant 2 : i32
      %rem3A_123 = arith.remsi %sub3A_121, %rem3A_122 : i32
      %add3A_124 = arith.addi %add3A_4, %sub3A_119 : i32
      %jit3A_125 = arith.constant 72 : i32
      %div3A_126 = arith.divsi %add3A_124, %jit3A_125 : i32
      %sign3A_127 = arith.constant 0 : i32
      %sign3A_128 = arith.cmpi sgt, %add3A_124, %sign3A_127 : i32
      %sign3A_129 = arith.extui %sign3A_128 : i1 to i32
      %sign3A_130 = arith.constant 0 : i32
      %sign3A_131 = arith.cmpi slt, %add3A_124, %sign3A_130 : i32
      %sign3A_132 = arith.extui %sign3A_131 : i1 to i32
      %sign3A_133 = arith.subi %sign3A_129, %sign3A_132 : i32
      %sign3A_134 = arith.constant 0 : i32
      %sign3A_135 = arith.cmpi sgt, %jit3A_125, %sign3A_134 : i32
      %sign3A_136 = arith.extui %sign3A_135 : i1 to i32
      %sign3A_137 = arith.constant 0 : i32
      %sign3A_138 = arith.cmpi slt, %jit3A_125, %sign3A_137 : i32
      %sign3A_139 = arith.extui %sign3A_138 : i1 to i32
      %sign3A_140 = arith.subi %sign3A_136, %sign3A_139 : i32
      %ne3A_141 = arith.cmpi ne, %sign3A_133, %sign3A_140 : i32
      %rem3A_142 = arith.remsi %add3A_124, %jit3A_125 : i32
      %ne3A_143 = arith.constant 0 : i32
      %ne3A_144 = arith.cmpi ne, %rem3A_142, %ne3A_143 : i32
      %and3A_145 = arith.andi %ne3A_141, %ne3A_144 : i1
      %sub3A_146 = arith.constant 1 : i32
      %sub3A_147 = arith.subi %div3A_126, %sub3A_146 : i32
      %select_n3A_148 = arith.select %and3A_145, %sub3A_147, %div3A_126 : i32
      %jit3A_149 = arith.constant 72 : i32
      %eq3A_150 = arith.constant 0 : i32
      %eq3A_151 = arith.cmpi eq, %jit3A_149, %eq3A_150 : i32
      %jit3A_152 = arith.constant 1 : i32
      %select_n3A_153 = arith.select %eq3A_151, %jit3A_152, %jit3A_149 : i32
      %rem3A_154 = arith.remsi %add3A_124, %select_n3A_153 : i32
      %ne3A_155 = arith.constant 0 : i32
      %ne3A_156 = arith.cmpi ne, %rem3A_154, %ne3A_155 : i32
      %lt3A_157 = arith.constant 0 : i32
      %lt3A_158 = arith.cmpi slt, %rem3A_154, %lt3A_157 : i32
      %lt3A_159 = arith.constant 0 : i32
      %lt3A_160 = arith.cmpi slt, %select_n3A_153, %lt3A_159 : i32
      %ne3A_161 = arith.xori %lt3A_158, %lt3A_160 : i1
      %and3A_162 = arith.andi %ne3A_161, %ne3A_156 : i1
      %add3A_163 = arith.addi %rem3A_154, %select_n3A_153 : i32
      %select_n3A_164 = arith.select %and3A_162, %add3A_163, %rem3A_154 : i32
      %jit3A_165 = arith.constant 8 : i32
      %div3A_166 = arith.divsi %select_n3A_164, %jit3A_165 : i32
      %sign3A_167 = arith.constant 0 : i32
      %sign3A_168 = arith.cmpi sgt, %select_n3A_164, %sign3A_167 : i32
      %sign3A_169 = arith.extui %sign3A_168 : i1 to i32
      %sign3A_170 = arith.constant 0 : i32
      %sign3A_171 = arith.cmpi slt, %select_n3A_164, %sign3A_170 : i32
      %sign3A_172 = arith.extui %sign3A_171 : i1 to i32
      %sign3A_173 = arith.subi %sign3A_169, %sign3A_172 : i32
      %sign3A_174 = arith.constant 0 : i32
      %sign3A_175 = arith.cmpi sgt, %jit3A_165, %sign3A_174 : i32
      %sign3A_176 = arith.extui %sign3A_175 : i1 to i32
      %sign3A_177 = arith.constant 0 : i32
      %sign3A_178 = arith.cmpi slt, %jit3A_165, %sign3A_177 : i32
      %sign3A_179 = arith.extui %sign3A_178 : i1 to i32
      %sign3A_180 = arith.subi %sign3A_176, %sign3A_179 : i32
      %ne3A_181 = arith.cmpi ne, %sign3A_173, %sign3A_180 : i32
      %rem3A_182 = arith.remsi %select_n3A_164, %jit3A_165 : i32
      %ne3A_183 = arith.constant 0 : i32
      %ne3A_184 = arith.cmpi ne, %rem3A_182, %ne3A_183 : i32
      %and3A_185 = arith.andi %ne3A_181, %ne3A_184 : i1
      %sub3A_186 = arith.constant 1 : i32
      %sub3A_187 = arith.subi %div3A_166, %sub3A_186 : i32
      %select_n3A_188 = arith.select %and3A_185, %sub3A_187, %div3A_166 : i32
      %jit3A_189 = arith.constant 8 : i32
      %eq3A_190 = arith.constant 0 : i32
      %eq3A_191 = arith.cmpi eq, %jit3A_189, %eq3A_190 : i32
      %jit3A_192 = arith.constant 1 : i32
      %select_n3A_193 = arith.select %eq3A_191, %jit3A_192, %jit3A_189 : i32
      %rem3A_194 = arith.remsi %select_n3A_164, %select_n3A_193 : i32
      %ne3A_195 = arith.constant 0 : i32
      %ne3A_196 = arith.cmpi ne, %rem3A_194, %ne3A_195 : i32
      %lt3A_197 = arith.constant 0 : i32
      %lt3A_198 = arith.cmpi slt, %rem3A_194, %lt3A_197 : i32
      %lt3A_199 = arith.constant 0 : i32
      %lt3A_200 = arith.cmpi slt, %select_n3A_193, %lt3A_199 : i32
      %ne3A_201 = arith.xori %lt3A_198, %lt3A_200 : i1
      %and3A_202 = arith.andi %ne3A_201, %ne3A_196 : i1
      %add3A_203 = arith.addi %rem3A_194, %select_n3A_193 : i32
      %select_n3A_204 = arith.select %and3A_202, %add3A_203, %rem3A_194 : i32
      %mul3A_205 = arith.constant 2 : i32
      %mul3A_206 = arith.muli %mul3A_205, %select_n3A_188 : i32
      %dma_wait3A = arith.constant 0 : i32
      %dma_wait3A_207 = arith.constant 0 : i32
      %dma_wait3A_208 = arith.constant 0 : i32
      %dma_wait3A_209 = arith.constant 0 : i32
      %dma_wait3A_210 = tpu.memref_slice %arg4[%rem3A_123, %dma_wait3A, %dma_wait3A_207, %dma_wait3A_208, %dma_wait3A_209] : memref<2x1x1x1x10000xi32, #tpu.memory_space<vmem>> -> memref<1x1x1x1x10000xi32, #tpu.memory_space<vmem>>
      %dma_wait3A_211 = tpu.memref_squeeze %dma_wait3A_210 : memref<1x1x1x1x10000xi32, #tpu.memory_space<vmem>> -> memref<1x1x1x10000xi32, #tpu.memory_space<vmem>>
      %dma_wait3A_212 = arith.constant 0 : i32
      %dma_wait3A_213 = tpu.memref_slice %arg3[%select_n3A_148, %select_n3A_188, %select_n3A_204, %dma_wait3A_212] : memref<2x9x8x10000xi32, #tpu.memory_space<hbm>> -> memref<1x1x1x10000xi32, #tpu.memory_space<hbm>>
      %dma_wait3A_214 = tpu.memref_slice %arg6[%rem3A_123] : memref<2x!tpu.dma_semaphore, #tpu.memory_space<semaphore_mem>> -> memref<1x!tpu.dma_semaphore, #tpu.memory_space<semaphore_mem>>
      %dma_wait3A_215 = tpu.memref_squeeze %dma_wait3A_214 : memref<1x!tpu.dma_semaphore, #tpu.memory_space<semaphore_mem>> -> memref<!tpu.dma_semaphore, #tpu.memory_space<semaphore_mem>>
      %dma_wait3A_216 = arith.constant 0 : i32
      %dma_wait3A_217 = tpu.memref_slice %arg3[%select_n3A_148, %select_n3A_188, %select_n3A_204, %dma_wait3A_216] : memref<2x9x8x10000xi32, #tpu.memory_space<hbm>> -> memref<1x1x1x10000xi32, #tpu.memory_space<hbm>>
      %dma_wait3A_218 = arith.constant 0 : i32
      %dma_wait3A_219 = arith.constant 0 : i32
      %dma_wait3A_220 = arith.constant 0 : i32
      %dma_wait3A_221 = arith.constant 0 : i32
      %dma_wait3A_222 = tpu.memref_slice %arg4[%rem3A_123, %dma_wait3A_218, %dma_wait3A_219, %dma_wait3A_220, %dma_wait3A_221] : memref<2x1x1x1x10000xi32, #tpu.memory_space<vmem>> -> memref<1x1x1x1x10000xi32, #tpu.memory_space<vmem>>
      %dma_wait3A_223 = tpu.memref_squeeze %dma_wait3A_222 : memref<1x1x1x1x10000xi32, #tpu.memory_space<vmem>> -> memref<1x1x1x10000xi32, #tpu.memory_space<vmem>>
      tpu.wait_dma2 semaphore(%dma_wait3A_215 : memref<!tpu.dma_semaphore, #tpu.memory_space<semaphore_mem>>) src(%dma_wait3A_223 : memref<1x1x1x10000xi32, #tpu.memory_space<vmem>>) dst(%dma_wait3A_217 : memref<1x1x1x10000xi32, #tpu.memory_space<hbm>>)
    } else {
    }
    return
  }
}

</mosaic_0001>

<sc_bundles>
// kernel: kernel.3.cloned.1.call-start
scs
__scs_entry_jumppad:
0x0: {  	(pc) =	sbr.rel $0x88, $3  }
0x1: {  	(tag) =	ssettag $0x0;
	lr =	simm.s32 $0x1  }
0x2: {  	[smem:$0x3FA0] =	sst lr;
	_ =	strace $0xD0000000  }
0x3: {  	_ = 	snop  }
0x4: {  	_ = 	snop  }
0x5: {  	_ = 	snop  }
0x6: {  	_ = 	snop  }
0x7: {  	_ = 	snop  }
__scs_overlays_trampoline_lowered:
0x8: {  	[smem:$0x3FAF] =	sst s0  }
0x9: {  	[smem:$0x3FB0] =	sst s1  }
0xa: {  	[smem:$0x3FB1] =	sst s2  }
0xb: {  	[smem:$0x3FB2] =	sst s3  }
0xc: {  	[smem:$0x3FB3] =	sst s4  }
0xd: {  	[smem:$0x3FB4] =	sst s5  }
0xe: {  	[smem:$0x3FB5] =	sst s6  }
0xf: {  	[smem:$0x3FB6] =	sst s7  }
0x10: {  	[smem:$0x3FB7] =	sst s8  }
0x11: {  	[smem:$0x3FB8] =	sst s9;
	s0 =	simm.s32 @!p0 $0x0  }
0x12: {  	s1 =	sld [smem:$0x3F9E];
	s0 =	simm.s32 @p0 $0x1  }
0x13: {  	[smem:$0x3FB9] =	sst s0;
	s0 =	simm.s32 @!p1 $0x0  }
0x14: {  	s2 =	sld [smem:$0x3F9D];
	s0 =	simm.s32 @p1 $0x1  }
0x15: {  	[smem:$0x3FBA] =	sst s0;
	s0 =	simm.s32 @!p2 $0x0  }
0x16: {  	s3 =	sld [smem:$0x3FDB];
	s0 =	simm.s32 @p2 $0x1  }
0x17: {  	s4 =	simm.s32 $0x1BF5;
	[smem:$0x3FBC] =	sst s0  }
0x18: {  	s0 =	sld [smem:$0x3F9F];
	_ =	swait.ge [sflag:s4], $0x0  }
0x19: {  	s7 =	sld [smem:$0x3FA0]  }
0x1a: {  	s8 =	sadd.s32 $0xFFFFE003, lr  }
0x1b: {  	s9 =	sadd.s32 $0xFFFFFEF7, lr;
	s5 =	simm.s32 $0xFFFFFFFF;
	p2 =	slt.u32 s8, $0xFFFFF086  }
0x1c: {  	p1 =	slt.u32 s9, $0xF7A;
	s5 =	simm.s32 @!p2 $0x0  }
0x1d: {  	s5 =	simm.s32 @p1 $0x1;
	p0 =	seq.s32 s7, s2  }
0x1e: {  	s7 =	smul.u32 @!p0 $0xF7A, s2;
	p2 =	seq.s32 @!p0 s5, $0x0  }
0x1f: {  	s9 =	smul.u32 $0xF7A, s1;
	s8 =	simm.s32 @!p0 $0x1BF5;
	p2 =	por !p2, p0  }
0x20: {  	[sflag:s8] =	ssyncset.s32 @!p0 $0xFFFFF086;
	s6 =	sadd.s32 @!p0 s3, s7;
	s7 =	simm.s32 @!p0 $0x108  }
0x21: {  	s3 =	sadd.s32 s3, s9;
	s6 =	sadd.s32 @!p0 $0x88, s6;
	s7 =	simm.s32 @p2 $0x1082  }
0x22: {  	[simem:s7], [sflag:s8] =	dma.local @!p0 [hbm:s6], $0xF7A  }
0x23: {  	s9 =	sor.u32 $0xD0000000, s2;
	s6 =	simm.s32 $0x108;
	_ =	swait.ge @!p0 [sflag:s8], $0x0  }
0x24: {  	s3 =	sadd.s32 $0x88, s3;
	s6 =	simm.s32 @!p1 $0x1082;
	[sflag:s4] =	ssyncset.s32 $0xFFFFF086  }
0x25: {  	[simem:s6], [sflag:s4] =	dma.local [hbm:s3], $0xF7A  }
0x26: {  	[smem:$0x3FA0] =	sst s1;
	(tag) =	ssettag s2;
	_ =	strace s9  }
0x27: {  	s1 =	sld [smem:$0x3FB0]  }
0x28: {  	s2 =	sld [smem:$0x3FB1]  }
0x29: {  	s4 =	sld [smem:$0x3FB3]  }
0x2a: {  	p0 =	seq.s32 s5, $0x0;
	s5 =	sld [smem:$0x3FB4]  }
0x2b: {  	s6 =	sld [smem:$0x3FB5]  }
0x2c: {  	s7 =	sld [smem:$0x3FB6]  }
0x2d: {  	s3 =	simm.s32 $0x108;
	s8 =	sld [smem:$0x3FB7]  }
0x2e: {  	s3 =	simm.s32 @!p0 $0x1082;
	s9 =	sld [smem:$0x3FB8]  }
0x2f: {  	lr =	sadd.s32 s0, s3;
	s0 =	sld [smem:$0x3FAF]  }
0x30: {  	s3 =	sld [smem:$0x3FB2]  }
0x31: {  	[smem:$0x3FBB] =	sst s10  }
0x32: {  	s10 =	sld [smem:$0x3FB9];
	_ =	sdelay $0x3  }
0x33: {  	p0 =	seq.s32 s10, $0x1;
	s10 =	sld [smem:$0x3FBB];
	_ =	sdelay $0x3  }
0x34: {  	[smem:$0x3FBB] =	sst s10  }
0x35: {  	s10 =	sld [smem:$0x3FBA];
	_ =	sdelay $0x3  }
0x36: {  	p1 =	seq.s32 s10, $0x1;
	s10 =	sld [smem:$0x3FBB];
	_ =	sdelay $0x3  }
0x37: {  	[smem:$0x3FBB] =	sst s10  }
0x38: {  	s10 =	sld [smem:$0x3FBC]  }
0x39: {  	_ = 	snop;
	(pc) =	sbr.ind lr, $3  }
0x3a: {  	_ = 	snop  }
0x3b: {  	_ = 	snop  }
0x3c: {  	p2 =	seq.s32 s10, $0x1;
	s10 =	sld [smem:$0x3FBB]  }
0x3d: {  	_ =	shalt  }
0x3e: {  	_ =	shalt  }
0x3f: {  	_ =	shalt  }
0x40: {  	_ =	shalt  }
0x41: {  	_ =	shalt  }
0x42: {  	_ =	shalt  }
0x43: {  	_ =	shalt  }
0x44: {  	_ =	shalt  }
0x45: {  	_ =	shalt  }
0x46: {  	_ =	shalt  }
0x47: {  	_ =	shalt  }
0x48: {  	_ =	shalt  }
0x49: {  	_ =	shalt  }
0x4a: {  	_ =	shalt  }
0x4b: {  	_ =	shalt  }
0x4c: {  	_ =	shalt  }
0x4d: {  	_ =	shalt  }
0x4e: {  	_ =	shalt  }
0x4f: {  	_ =	shalt  }
0x50: {  	_ =	shalt  }
0x51: {  	_ =	shalt  }
0x52: {  	_ =	shalt  }
0x53: {  	_ =	shalt  }
0x54: {  	_ =	shalt  }
0x55: {  	_ =	shalt  }
0x56: {  	_ =	shalt  }
0x57: {  	_ =	shalt  }
0x58: {  	_ =	shalt  }
0x59: {  	_ =	shalt  }
0x5a: {  	_ =	shalt  }
0x5b: {  	_ =	shalt  }
0x5c: {  	_ =	shalt  }
0x5d: {  	_ =	shalt  }
0x5e: {  	_ =	shalt  }
0x5f: {  	_ =	shalt  }
0x60: {  	_ =	shalt  }
0x61: {  	_ =	shalt  }
0x62: {  	_ =	shalt  }
0x63: {  	_ =	shalt  }
0x64: {  	_ =	shalt  }
0x65: {  	_ =	shalt  }
0x66: {  	_ =	shalt  }
0x67: {  	_ =	shalt  }
0x68: {  	_ =	shalt  }
0x69: {  	_ =	shalt  }
0x6a: {  	_ =	shalt  }
0x6b: {  	_ =	shalt  }
0x6c: {  	_ =	shalt  }
0x6d: {  	_ =	shalt  }
0x6e: {  	_ =	shalt  }
0x6f: {  	_ =	shalt  }
0x70: {  	_ =	shalt  }
0x71: {  	_ =	shalt  }
0x72: {  	_ =	shalt  }
0x73: {  	_ =	shalt  }
0x74: {  	_ =	shalt  }
0x75: {  	_ =	shalt  }
0x76: {  	_ =	shalt  }
0x77: {  	_ =	shalt  }
0x78: {  	_ =	shalt  }
0x79: {  	_ =	shalt  }
0x7a: {  	_ =	shalt  }
0x7b: {  	_ =	shalt  }
0x7c: {  	_ =	shalt  }
0x7d: {  	_ =	shalt  }
0x7e: {  	_ =	shalt  }
0x7f: {  	_ =	shalt  }
0x80: {  	_ =	shalt  }
0x81: {  	_ =	shalt  }
0x82: {  	_ =	shalt  }
0x83: {  	_ =	shalt  }
0x84: {  	_ =	shalt  }
0x85: {  	_ =	shalt  }
0x86: {  	_ =	shalt  }
0x87: {  	_ =	shalt  }
.Lfunc_end0:
.L_simem_size_0:
called_computation_lowered:
.L_overlay_start_0:
0x88: {  	s2 =	sld [smem:$0x3FD9]  }
0x89: {  	s3 =	sld [smem:$0x3FFE];
	_ =	sdelay $0x1  }
0x8a: {  	s1 =	srdreg.scid  }
0x8b: {  	s0 =	sand.u32 $0x1, s1  }
0x8c: {  	s18 =	sshll.u32 s0, $0xA;
	s2 =	sadd.s32 s3, s2  }
0x8d: {  	s2 =	sadd.s32 s2, s18  }
0x8e: {  	[smem:$0x3FC7] =	sst s2  }
0x8f: {  	_ = 	snop  }
0x90: {  	s2 =	sld [smem:$0x3FC9]  }
0x91: {  	s19 =	sld [smem:$0x3FD0];
	(tm) =	ssettm $0x1  }
0x92: {  	s4 =	sld [smem:$0x3FFB];
	_ =	sdelay $0x3  }
0x93: {  	_ =	strace s4  }
0x94: {  	s4 =	sld [smem:$0x3FFC];
	_ =	sdelay $0x3  }
0x95: {  	_ =	strace s4  }
0x96: {  	s4 =	sld [smem:$0x3FFD];
	_ =	sdelay $0x3  }
0x97: {  	_ =	strace s4  }
0x98: {  	_ =	strace $0x8FFFFFFF  }
0x99: {  	s20 =	sld [smem:$0x3FDB];
	_ =	sdelay $0x1  }
0x9a: {  	s5 =	simm.s32 $_scs_section_size  }
0x9b: {  	s6 =	simm.s32 $_size__tile_overlayer_lowered;
	s7 =	simm.s32 $_tile_overlayer_lowered  }
0x9c: {  	s23 =	simm.s32 $0x1BFF;
	s22 =	sshll.u32 s7, $0x1;
	s4 =	sadd.s32 s5, s20  }
0x9d: {  	s8 =	simm.s32 $0x0;
	s21 =	sshll.u32 s6, $0x1;
	s6 =	sadd.s32 s22, s4  }
0x9e: {  	[timem:s8], [sflag:s23] =	dma.local [hbm:s6], s21  }
0x9f: {  	_ =	swait.ge [sflag:s23], s21  }
0xa0: {  	s5 =	ssub.s32 $0x0, s21;
	[sflag:s23] =	ssyncset.done $0x0  }
0xa1: {  	[sflag:s23] =	ssyncadd.s32 s5;
	_ =	sdelay $0x1  }
0xa2: {  	s24 =	simm.s32 $0x1B8B  }
0xa3: {  	_ =	swait.ge [sflag:s24], $0x1  }
0xa4: {  	[sflag:s24] =	ssyncset.done $0x0  }
0xa5: {  	s25 =	simm.s32 $0x1B8E;
	[sflag:s24] =	ssyncadd.s32 $0xFFFFFFFF  }
0xa6: {  	s26 =	simm.s32 $execute0_lowered;
	[smem:$0x3FD2] =	sst s25  }
0xa7: {  	s5 =	sshll.u32 s26, $0x1;
	_ =	strace $0x80000046;
	[dreg:$0x1] =	wrdreg $0xFFFFFFFF  }
0xa8: {  	s28 =	simm.s32 $_size_execute0_lowered;
	s4 =	sadd.s32 s4, s5;
	[dreg:$0x0] =	wrdreg $0x0  }
0xa9: {  	s5 =	sshll.u32 s28, $0x1;
	[dreg:$0x2] =	wrdreg s4  }
0xaa: {  	[dreg:$0x3] =	wrdreg s5  }
0xab: {  	[dreg:$0x4] =	wrdreg $0xC0  }
0xac: {  	_ =	task [dreg:s8], $0x5FFFF  }
0xad: {  	[dreg:$0x1] =	wrdreg $0xFFFFFFFF  }
0xae: {  	[dreg:$0x0] =	wrdreg $0x60  }
0xaf: {  	[dreg:$0x2] =	wrdreg s2  }
0xb0: {  	[dreg:$0x3] =	wrdreg s19  }
0xb1: {  	[dreg:$0x4] =	wrdreg $0x9  }
0xb2: {  	_ =	task.clear_ibuf [dreg:s8], $0x5FFFF;
	_ =	strace $0x90000046  }
0xb3: {  	s29 =	simm.s32 $0x9;
	_ =	strace $0x80000048  }
0xb4: {  	_ =	swait.ge [sflag:s29], $0x1  }
0xb5: {  	[sflag:s29] =	ssyncadd.s32 $0xFFFFFFFF  }
0xb6: {  	_ =	strace $0x90000048  }
0xb7: {  	_ =	sfence  }
0xb8: {  	s30 =	sld [smem:$0x0];
	_ =	sdelay $0x2  }
0xb9: {  	s31 =	sshll.u32 s1, $0xD;
	s1 =	sshrl.u32 s1, $0x2  }
0xba: {  	s3 =	sand.u32 $0x4000, s31;
	s1 =	sadd.s32 s1, s30  }
0xbb: {  	s0 =	sor.u32 s3, s0;
	s1 =	sshll.u32 s1, $0x11  }
0xbc: {  	s0 =	sor.u32 s1, s0  }
0xbd: {  	s0 =	sadd.s32 $0x8F2B, s0  }
0xbe: {  	[sflag:s0] =	ssyncadd.remote.s32 $0x1  }
0xbf: {  	_ =	sfence.sel $0xFFFF  }
0xc0: {  	[dreg:$0x0] =	wrdreg $0xFFFFFFFF;
	(pc) =	sbr.abs _section_cstart, $3  }
0xc1: {  	[dreg:$0x1] =	wrdreg $0xFFFFFFFF  }
0xc2: {  	_ =	task.clear_ibuf [dreg:s8], $0x2FFFF;
	_ =	strace $0x9FFFFFFF  }
0xc3: {  	(tm) =	ssettm $0x7FFFFFFF  }
tec
execute0_lowered:
.L_overlay_start_1:
0x0: {  	(tag) =	ssettag $0x1  }
0x1: {  	s1 =	srdreg.scid  }
0x2: {  	s0 =	stileid.u32;
	s3 =	rddreg [dreg:$0x1];
	s9 =	simm.s32 $0x163800  }
0x3: {  	s12 =	simm.s32 $0x80;
	s5 =	sand.u32 $0x1, s1;
	s2 =	sshll.u32 s0, $0x1  }
0x4: {  	s13 =	simm.s32 $0x400;
	s14 =	simm.s32 $0x0;
	s2 =	sor.u32 s5, s2  }
0x5: {  	s1 =	rddreg [dreg:$0x0];
	s4 =	sshll.u32 s2, $0x2;
	s2 =	smin.u32 s2, $0x10  }
0x6: {  	[dreg:$0x3] =	wrdreg s3;
	s5 =	ssub.s32 $0x2, s5;
	s3 =	sadd.s32 s2, s4  }
0x7: {  	s7 =	sshrl.u32 s5, $0x1;
	s4 =	simm.s32 $0x0;
	s6 =	sadd.s32 $0xFFFFFFB8, s3  }
0x8: {  	s10 =	ssub.s32 s5, s7;
	s5 =	simm.s32 $0x4;
	s6 =	smin.u32 s3, s6  }
0x9: {  	s7 =	simm.s32 $0x1;
	[smem:$0x7FF] =	sst s4;
	s8 =	sshrl.u32 s6, $0x3  }
0xa: {  	p0 =	sgt.u32 s3, $0x47;
	s11 =	sadd.s32 $0x1, s3;
	s8 =	smul.u32 $0x27800, s8  }
0xb: {  	_ =	strace $0x80000047;
	s9 =	simm.s32 @!p0 $0x0;
	s29 =	sshll.u32 s6, $0x7  }
0xc: {  	p0 =	sgt.u32 s0, $0x7;
	s31 =	sand.u32 $0x380, s29;
	s30 =	sadd.s32 s9, s8  }
0xd: {  	s5 =	simm.s32 @!p0 $0x5;
	s7 =	simm.s32 @!p0 $0x0;
	s6 =	sor.u32 s31, s30  }
0xe: {  	s7 =	sadd.s32 $0x3, s7;
	s8 =	sshll.u32 s3, $0x7;
	s6 =	sshrl.u32 s6, $0x3  }
0xf: {  	s9 =	smax.u32 s10, $0x1;
	s10 =	sadd.s32 $0x80, s8;
	s6 =	sadd.s32 s1, s6  }
.LBB2_1:
0x10: {  	[tilespmem:s4], [sflag:$0x1] =	stream.strided.gather [hbm4b:s6+s12], $0x2780, s13, s12, $0x38;
	[tilespmem:$0x4F00] =	vst v63  }
0x11: {  	s16 =	smulhi.u32 $0x38E38E39, s11  }
0x12: {  	s15 =	simm.s32 $0x1;
	s17 =	smulhi.u32 $0x38E38E39, s3;
	s18 =	sadd.s32 $0x0, s3  }
0x13: {  	p1 =	sle.u32 s5, $0x1;
	s18 =	smulhi.u32 $0x38E38E39, s18;
	s22 =	sand.u32 $0x1, s15  }
0x14: {  	p0 =	sne.s32 s5, $0x1;
	s16 =	sshrl.u32 s16, $0x4;
	s25 =	smul.u32 @!p1 $0x9E00, s22  }
0x15: {  	p2 =	por $0x1, $0x1;
	s20 =	sadd.s32 @!p1 $0x0, s3;
	s19 =	smul.u32 $0x48, s16  }
0x16: {  	s17 =	sshrl.u32 s17, $0x4;
	s21 =	sadd.s32 @!p1 $0x1, s20;
	s16 =	smul.u32 $0x2400, s16  }
0x17: {  	s24 =	sadd.s32 @!p2 $0x3, s22;
	s18 =	sshrl.u32 s18, $0x4;
	s23 =	smul.u32 $0x48, s17  }
0x18: {  	_ =	swait.ge @!p2 [sflag:s24], $0x2780;
	s17 =	smul.u32 $0x2400, s17;
	s19 =	ssub.s32 $0x1, s19  }
0x19: {  	s18 =	smul.u32 $0xB1C00, s18;
	s23 =	ssub.s32 s3, s23;
	s19 =	sadd.s32 @!p1 s19, s20  }
0x1a: {  	s20 =	smulhi.u32 @!p1 $0x38E38E39, s21;
	s23 =	sadd.s32 $0x0, s23;
	s19 =	sshrl.u32 @!p1 s19, $0x3  }
0x1b: {  	[sflag:s24] =	ssyncset.done @!p2 $0x0;
	s23 =	sshrl.u32 s23, $0x3;
	s19 =	smul.u32 @!p1 $0x27800, s19  }
0x1c: {  	s25 =	sshrl.u32 @!p1 s25, $0x2;
	s20 =	sshrl.u32 @!p1 s20, $0x4;
	s23 =	smul.u32 $0x13C00, s23  }
0x1d: {  	s16 =	ssub.s32 s10, s16;
	s17 =	ssub.s32 s8, s17;
	s20 =	smul.u32 @!p1 $0x163800, s20  }
0x1e: {  	[sflag:s24] =	ssyncadd.s32 @!p2 $0xFFFFD880;
	s21 =	simm.s32 @!p1 $0x400;
	s16 =	sand.u32 @!p1 $0x380, s16  }
0x1f: {  	s17 =	sand.u32 $0x380, s17;
	s18 =	sadd.s32 s18, s23;
	s19 =	sadd.s32 @!p1 s20, s19  }
0x20: {  	s20 =	sadd.s32 @!p1 $0x1, s22;
	s22 =	simm.s32 @!p1 $0x80;
	s16 =	sor.u32 @!p1 s16, s19  }
.Ltmp0:
0x21: {  	s18 =	sor.u32 s17, s18;
	s19 =	sshrl.u32 @!p1 s16, $0x3;
	(pc) =	sbr.rel @!p0 .LBB2_3-.Ltmp0, $4  }
0x22: {  	s17 =	sadd.s32 $0x80, s10;
	s16 =	sadd.s32 $0x1, s11;
	s19 =	sadd.s32 @!p1 s1, s19  }
0x23: {  	[tilespmem:s25], [sflag:s20] =	stream.strided.gather @!p1 [hbm4b:s19+s22], $0x2780, s21, s22, $0x38;
	[tilespmem:$0x4F00] =	vst v63  }
0x24: {  	s21 =	sand.u32 $0x1, s4;
	s22 =	sshrl.u32 s18, $0x3;
	s18 =	smov.u32 s8  }
0x25: {  	s19 =	smov.u32 s11;
	s24 =	sadd.s32 $0x1, s21;
	s23 =	smul.u32 $0x9E00, s21  }
.LBB2_2:
0x26: {  	_ =	swait.ge [sflag:s24], $0x2780;
	s18 =	sadd.s32 $0x80, s18;
	s20 =	smov.u32 s15  }
0x27: {  	s15 =	sadd.s32 $0x1, s15;
	s21 =	sadd.s32 $0x3, s21;
	s28 =	smulhi.u32 $0x38E38E39, s16  }
0x28: {  	s29 =	smulhi.u32 $0x38E38E39, s19;
	s16 =	sadd.s32 $0x1, s16;
	s19 =	sadd.s32 $0x1, s19  }
0x29: {  	[sflag:s24] =	ssyncset.done $0x0;
	s25 =	rddreg [dreg:$0x3];
	s23 =	sshrl.u32 s23, $0x2  }
0x2a: {  	s30 =	sadd.s32 s20, s3;
	[sflag:s24] =	ssyncadd.s32 $0xFFFFD880;
	s22 =	sadd.s32 s25, s22  }
0x2b: {  	[hbm4b:s22+s12] =	stream.strided.scatter [tilespmem:s23], [sflag:s21], $0x2780, s13, s12, $0x38;
	[tilespmem:$0x4F00] =	vst v63  }
0x2c: {  	p0 =	sne.s32 s5, s15;
	s31 =	sshrl.u32 s28, $0x4;
	s22 =	smulhi.u32 $0x38E38E39, s30  }
0x2d: {  	p2 =	seq.s32 s20, $0x0;
	p1 =	sge.u32 s15, s5;
	s24 =	smul.u32 $0x48, s31  }
0x2e: {  	s25 =	sadd.s32 @!p1 s20, s3;
	s28 =	sand.u32 $0x1, s15;
	s23 =	smul.u32 $0x2400, s31  }
0x2f: {  	s2 =	simm.s32 @!p1 $0x80;
	s21 =	sshrl.u32 s29, $0x4;
	s31 =	smul.u32 @!p1 $0x9E00, s28  }
0x30: {  	s26 =	sadd.s32 @!p1 $0x1, s25;
	s30 =	sadd.s32 @!p2 $0x3, s28;
	s29 =	smul.u32 $0x48, s21  }
0x31: {  	s28 =	sadd.s32 @!p1 $0x1, s28;
	_ =	swait.ge @!p2 [sflag:s30], $0x2780;
	s21 =	smul.u32 $0x2400, s21  }
0x32: {  	s22 =	sshrl.u32 s22, $0x4;
	s24 =	ssub.s32 $0x1, s24;
	s23 =	ssub.s32 s17, s23  }
0x33: {  	s22 =	smul.u32 $0xB1C00, s22;
	s24 =	sadd.s32 @!p1 s24, s25;
	s29 =	ssub.s32 s3, s29  }
0x34: {  	s25 =	smulhi.u32 @!p1 $0x38E38E39, s26;
	s24 =	sshrl.u32 @!p1 s24, $0x3;
	s29 =	sadd.s32 s29, s20  }
0x35: {  	[sflag:s30] =	ssyncset.done @!p2 $0x0;
	s24 =	smul.u32 @!p1 $0x27800, s24;
	s29 =	sshrl.u32 s29, $0x3  }
0x36: {  	s31 =	sshrl.u32 @!p1 s31, $0x2;
	s25 =	sshrl.u32 @!p1 s25, $0x4;
	s29 =	smul.u32 $0x13C00, s29  }
0x37: {  	s17 =	sadd.s32 $0x80, s17;
	s21 =	ssub.s32 s18, s21;
	s25 =	smul.u32 @!p1 $0x163800, s25  }
0x38: {  	s26 =	simm.s32 @!p1 $0x400;
	s23 =	sand.u32 @!p1 $0x380, s23;
	s21 =	sand.u32 $0x380, s21  }
.Ltmp1:
0x39: {  	s22 =	sadd.s32 s22, s29;
	s24 =	sadd.s32 @!p1 s25, s24;
	(pc) =	sbr.rel @p0 .LBB2_2-.Ltmp1, $4  }
0x3a: {  	s22 =	sor.u32 s21, s22;
	s21 =	sand.u32 $0x1, s20;
	s20 =	sor.u32 @!p1 s23, s24  }
0x3b: {  	[sflag:s30] =	ssyncadd.s32 @!p2 $0xFFFFD880;
	s20 =	sshrl.u32 @!p1 s20, $0x3;
	s24 =	sadd.s32 $0x1, s21  }
0x3c: {  	s23 =	smul.u32 $0x9E00, s21;
	s22 =	sshrl.u32 s22, $0x3;
	s20 =	sadd.s32 @!p1 s1, s20  }
0x3d: {  	[tilespmem:s31], [sflag:s28] =	stream.strided.gather @!p1 [hbm4b:s20+s2], $0x2780, s26, s2, $0x38;
	[tilespmem:$0x4F00] =	vst v63  }
.LBB2_3:
0x3e: {  	_ =	swait.ge [sflag:s24], $0x2780  }
0x3f: {  	s15 =	sadd.s32 $0x3, s21;
	s14 =	sadd.s32 $0x1, s14;
	s2 =	rddreg [dreg:$0x3]  }
0x40: {  	[sflag:s24] =	ssyncset.done $0x0;
	s16 =	sshrl.u32 s23, $0x2;
	p0 =	sne.s32 s14, s9  }
.Ltmp2:
0x41: {  	[sflag:s24] =	ssyncadd.s32 $0xFFFFD880;
	s2 =	sadd.s32 s2, s22;
	(pc) =	sbr.rel @p0 .LBB2_1-.Ltmp2, $4  }
0x42: {  	[hbm4b:s2+s12] =	stream.strided.scatter [tilespmem:s16], [sflag:s15], $0x2780, s13, s12, $0x38;
	[tilespmem:$0x4F00] =	vst v63  }
0x43: {  	_ =	swait.ge [sflag:s7], $0x2780  }
0x44: {  	[sflag:s7] =	ssyncset.done $0x0  }
0x45: {  	[sflag:s7] =	ssyncadd.s32 $0xFFFFD880  }
0x46: {  	_ =	sfence.sel $0x180000  }
0x47: {  	[bflag:$0x0] =	sbarrier.arrive $0xFFFF  }
0x48: {  	_ =	strace $0x90000047  }
0x49: {  	[bflag:$0x2] =	sbarrier.arrive $0xFFFF  }
0x4a: {  	p0 =	sne.s32 s0, $0x0;
	s0 =	rddreg [dreg:$0x2]  }
0x4b: {  	s0 =	sadd.s32 @!p0 $0x100000, s0  }
0x4c: {  	[sflag:s0] =	ssyncadd.tile.s32 @!p0 $0x1;
	_ =	shalt  }
.Lfunc_end2:
_tile_overlayer_lowered:
.L_overlay_start_2:
0x4d: {  	(tag) =	ssettag $0x2  }
0x4e: {  	s0 =	rddreg [dreg:$0x0];
	s2 =	stileid.u32  }
0x4f: {  	s1 =	rddreg [dreg:$0x1];
	p0 =	sne.s32 s2, $0x0  }
0x50: {  	s3 =	rddreg [dreg:$0x2];
	[bflag:$0x3] =	sbarrier.arrive $0xFFFF;
	s2 =	simm.s32 @!p0 $0x1C05  }
0x51: {  	[timem:s3], [sflag:s2] =	dma.local @!p0 [hbm:s0], s1  }
0x52: {  	s0 =	simm.s32 @!p0 $0x5  }
0x53: {  	_ =	swait.ge @!p0 [sflag:s0], s1  }
0x54: {  	s1 =	ssub.s32 @!p0 $0x0, s1;
	[sflag:s0] =	ssyncset.done @!p0 $0x0  }
0x55: {  	[sflag:s0] =	ssyncadd.s32 @!p0 s1  }
0x56: {  	[bflag:$0x3] =	sbarrier.arrive $0xFFFF  }
0x57: {  	_ =	shalt  }

</sc_bundles>
